<compile_context>
chip_gen: v7x
topology: tpu7x:2x2x1
jax: 0.10.2.dev20260603
libtpu: 0.0.44.dev20260713+nightly
codegen_flags: <defaults>
</compile_context>

<pallas_src>
import functools

import jax
import jax.numpy as jnp
from jax import lax
from jax.experimental import pallas as pl
from jax.experimental.pallas import tpu as pltpu
from jax.experimental.pallas import tpu_sc as plsc

_D = 32
_CHUNK = 128
_GROUPS = _CHUNK // 16


def _tec_body(cpw, nc, head_hbm, rel_hbm, tail_hbm, ent_hbm, rele_hbm, hyp_hbm,
              out_hbm, hidx, ridx, tidx, hrows, rrows, trows, wrows, outv, sem):
    wid = lax.axis_index("s") * nc + lax.axis_index("c")
    iota = lax.iota(jnp.int32, 16)

    def chunk_fn(j, carry):
        base = (wid * cpw + j) * _CHUNK
        pltpu.sync_copy(head_hbm.at[pl.ds(base, _CHUNK)], hidx)
        pltpu.sync_copy(rel_hbm.at[pl.ds(base, _CHUNK)], ridx)
        pltpu.sync_copy(tail_hbm.at[pl.ds(base, _CHUNK)], tidx)
        cp1 = pltpu.async_copy(ent_hbm.at[hidx], hrows, sem)
        cp2 = pltpu.async_copy(rele_hbm.at[ridx], rrows, sem)
        cp3 = pltpu.async_copy(ent_hbm.at[tidx], trows, sem)
        cp4 = pltpu.async_copy(hyp_hbm.at[ridx], wrows, sem)
        cp1.wait(); cp2.wait(); cp3.wait(); cp4.wait()

        def group_fn(g, gcarry):
            rowi = g * 16 + iota
            zero = jnp.zeros((16,), jnp.float32)
            s1 = zero; a = zero; bt = zero; cr = zero; s3 = zero
            for d in range(_D):
                col = jnp.full((16,), d, dtype=jnp.int32)
                h = plsc.load_gather(hrows, [rowi, col])
                r = plsc.load_gather(rrows, [rowi, col])
                t = plsc.load_gather(trows, [rowi, col])
                w = plsc.load_gather(wrows, [rowi, col])
                u = h + r - t
                s1 = s1 + u * u
                a = a + w * h
                bt = bt + w * t
                cr = cr + w * r
                s3 = s3 + w * w
            k = a - bt
            s2 = k + cr
            sq = s1 - 2.0 * k * s2 + k * k * s3
            sq = jnp.maximum(sq, 1e-30)
            ii = plsc.bitcast(sq, jnp.int32)
            yi = jnp.int32(0x5F3759DF) - (ii >> 1)
            y = plsc.bitcast(yi, jnp.float32)
            for _ in range(3):
                y = y * (1.5 - 0.5 * sq * y * y)
            outv[pl.ds(g * 16, 16)] = sq * y
            return gcarry

        lax.fori_loop(0, _GROUPS, group_fn, 0)
        pltpu.sync_copy(outv, out_hbm.at[pl.ds(base, _CHUNK)])
        return carry

    lax.fori_loop(0, cpw, chunk_fn, 0)


@functools.cache
def _build_sc_call(n_rows):
    mesh = plsc.VectorSubcoreMesh(core_axis_name="c", subcore_axis_name="s")
    nw = mesh.num_cores * mesh.num_subcores
    assert n_rows % (nw * _CHUNK) == 0
    cpw = n_rows // (nw * _CHUNK)
    return pl.kernel(
        functools.partial(_tec_body, cpw, mesh.num_cores),
        out_type=jax.ShapeDtypeStruct((n_rows,), jnp.float32),
        mesh=mesh,
        scratch_types=[
            pltpu.VMEM((_CHUNK,), jnp.int32),
            pltpu.VMEM((_CHUNK,), jnp.int32),
            pltpu.VMEM((_CHUNK,), jnp.int32),
            pltpu.VMEM((_CHUNK, _D), jnp.float32),
            pltpu.VMEM((_CHUNK, _D), jnp.float32),
            pltpu.VMEM((_CHUNK, _D), jnp.float32),
            pltpu.VMEM((_CHUNK, _D), jnp.float32),
            pltpu.VMEM((_CHUNK,), jnp.float32),
            pltpu.SemaphoreType.DMA,
        ],
        compiler_params=pltpu.CompilerParams(
            needs_layout_passes=False, use_tc_tiling_on_sc=False),
        name="transh_score_sc",
    )


def kernel(pos, neg, ent_embd, rel_embd, rel_hyper):
    b = pos.shape[1]
    head = jnp.concatenate([pos[0], neg[0]])
    rel = jnp.concatenate([pos[1], neg[1]])
    tail = jnp.concatenate([pos[2], neg[2]])
    scores = _build_sc_call(2 * b)(head, rel, tail, ent_embd, rel_embd,
                                   rel_hyper)
    pos_score = scores[:b].reshape(b, 1)
    neg_score = scores[b:].reshape(b, 1)
    return (pos_score, neg_score, ent_embd, rel_embd, rel_hyper)

# --- scband reference (transcript-rebuilt; emitter-appended) ---
"""Pipeline reference for scband-trans-h-88553635709609 (READ-ONLY COPY).

The authoritative reference and input builder live on the scoring server;
editing this copy changes nothing except your own understanding.
"""

import jax, jax.numpy as jnp
import numpy as np

NUM_ENT = 1000000
NUM_REL = 1000000
DIM = 32
B = 16384


def _xavier_uniform(key, shape):
    fan_in, fan_out = shape[0], shape[1]
    bound = float(np.sqrt(6.0 / (fan_in + fan_out)))
    return jax.random.uniform(key, shape, minval=-bound, maxval=bound, dtype=jnp.float32)


def setup_inputs(seed: int = 0) -> dict:
    key = jax.random.key(seed)
    k1, k2, k3, k4, k5 = jax.random.split(key, 5)
    pos = jax.random.randint(k1, (4, B), 0, NUM_ENT, dtype=jnp.int32)
    neg = jax.random.randint(k2, (4, B), 0, NUM_ENT, dtype=jnp.int32)
    ent_embd = _xavier_uniform(k3, (NUM_ENT, DIM))
    rel_embd = _xavier_uniform(k4, (NUM_REL, DIM))
    rel_hyper = _xavier_uniform(k5, (NUM_REL, DIM))
    return {"pos": pos, "neg": neg, "ent_embd": ent_embd, "rel_embd": rel_embd, "rel_hyper": rel_hyper}


def _score(h, r, t):
    return jnp.linalg.norm(h + r - t, axis=1, keepdims=True)


def _triplet_score(head_idx, rel_idx, tail_idx, ent_embd, rel_embd, rel_hyper):
    h_e = jnp.take(ent_embd, head_idx, axis=0)
    r_e = jnp.take(rel_embd, rel_idx, axis=0)
    t_e = jnp.take(ent_embd, tail_idx, axis=0)
    w = jnp.take(rel_hyper, rel_idx, axis=0)
    h_p = h_e - w * jnp.sum(w * h_e, axis=1, keepdims=True)
    t_p = t_e - w * jnp.sum(w * t_e, axis=1, keepdims=True)
    return _score(h_p, r_e, t_p)


def reference(pos, neg, ent_embd, rel_embd, rel_hyper):
    pos_head, pos_relation, pos_tail = pos[0], pos[1], pos[2]
    neg_head, neg_relation, neg_tail = neg[0], neg[1], neg[2]
    pos_score = _triplet_score(pos_head, pos_relation, pos_tail, ent_embd, rel_embd, rel_hyper)
    neg_score = _triplet_score(neg_head, neg_relation, neg_tail, ent_embd, rel_embd, rel_hyper)
    return (pos_score, neg_score, ent_embd, rel_embd, rel_hyper)

if __name__ == "__main__":
    import jax
    _d = setup_inputs()
    print(jax.jit(kernel)(*tuple(_d.values())))

</pallas_src>

<mosaic_0001>
#map = affine_map<(d0, d1) -> (0)>
#map1 = affine_map<(d0, d1) -> (0, 0)>
module attributes {stable_mosaic.version = 14 : i64} {
  func.func @transh_score_sc(%arg0: i32, %arg1: i32, %arg2: memref<32768xi32, #tpu.memory_space<hbm>>, %arg3: memref<32768xi32, #tpu.memory_space<hbm>>, %arg4: memref<32768xi32, #tpu.memory_space<hbm>>, %arg5: memref<1000000x32xf32, #tpu.memory_space<hbm>>, %arg6: memref<1000000x32xf32, #tpu.memory_space<hbm>>, %arg7: memref<1000000x32xf32, #tpu.memory_space<hbm>>, %arg8: memref<32768xf32, #tpu.memory_space<hbm>>, %arg9: memref<128xi32, #tpu.memory_space<vmem>>, %arg10: memref<128xi32, #tpu.memory_space<vmem>>, %arg11: memref<128xi32, #tpu.memory_space<vmem>>, %arg12: memref<128x32xf32, #tpu.memory_space<vmem>>, %arg13: memref<128x32xf32, #tpu.memory_space<vmem>>, %arg14: memref<128x32xf32, #tpu.memory_space<vmem>>, %arg15: memref<128x32xf32, #tpu.memory_space<vmem>>, %arg16: memref<128xf32, #tpu.memory_space<vmem>>, %arg17: memref<!tpu.dma_semaphore, #tpu.memory_space<semaphore_mem>>) attributes {dimension_semantics = [#tpu.dimension_semantics<core_parallel>, #tpu.dimension_semantics<subcore_parallel>], iteration_bounds = array<i64: 2, 16>, scalar_prefetch = 0 : i64, scratch_operands = 9 : i64, tpu.core_type = #tpu.core_type<sc_vector_subcore>, window_params = [{transform_indices = #map}, {transform_indices = #map}, {transform_indices = #map}, {transform_indices = #map1}, {transform_indices = #map1}, {transform_indices = #map1}, {transform_indices = #map}]} {
    %mul3A = arith.constant 2 : i32
    %mul3A_0 = arith.muli %arg1, %mul3A : i32
    %add3A = arith.addi %mul3A_0, %arg0 : i32
    %iota3A = tpu.iota {dimensions = array<i32: 0>} : vector<16xi32>
    %scan3A = arith.constant 0 : i32
    %scan3A_1 = arith.constant 0 : i32
    %scan3A_2 = arith.constant 8 : i32
    %scan3A_3 = arith.addi %scan3A_1, %scan3A_2 : i32
    %scan3A_4 = arith.constant 1 : i32
    scf.for %scan3A_6 = %scan3A_1 to %scan3A_3 step %scan3A_4  : i32 {
      %mul3A_7 = arith.constant 8 : i32
      %mul3A_8 = arith.muli %add3A, %mul3A_7 : i32
      %add3A_9 = arith.addi %mul3A_8, %scan3A_6 : i32
      %mul3A_10 = arith.constant 128 : i32
      %mul3A_11 = arith.muli %add3A_9, %mul3A_10 : i32
      "tpu.region"() ({
        %run_scoped3A = tpu.sem_alloc : memref<!tpu.dma_semaphore, #tpu.memory_space<semaphore_mem>>
        %dma_start3A_40 = tpu.memref_slice %arg2[%mul3A_11] : memref<32768xi32, #tpu.memory_space<hbm>> -> memref<128xi32, #tpu.memory_space<hbm>>
        %dma_start3A_41 = tpu.memref_slice %arg2[%mul3A_11] : memref<32768xi32, #tpu.memory_space<hbm>> -> memref<128xi32, #tpu.memory_space<hbm>>
        tpu.enqueue_dma source(%dma_start3A_41 : memref<128xi32, #tpu.memory_space<hbm>>) target(%arg9 : memref<128xi32, #tpu.memory_space<vmem>>) target_semaphore(%run_scoped3A : memref<!tpu.dma_semaphore, #tpu.memory_space<semaphore_mem>>)
        %dma_wait3A_42 = tpu.memref_slice %arg2[%mul3A_11] : memref<32768xi32, #tpu.memory_space<hbm>> -> memref<128xi32, #tpu.memory_space<hbm>>
        %dma_wait3A_43 = tpu.memref_slice %arg2[%mul3A_11] : memref<32768xi32, #tpu.memory_space<hbm>> -> memref<128xi32, #tpu.memory_space<hbm>>
        tpu.wait_dma2 semaphore(%run_scoped3A : memref<!tpu.dma_semaphore, #tpu.memory_space<semaphore_mem>>) src(%dma_wait3A_43 : memref<128xi32, #tpu.memory_space<hbm>>) dst(%arg9 : memref<128xi32, #tpu.memory_space<vmem>>)
        tpu.yield
      }) : () -> ()
      "tpu.region"() ({
        %run_scoped3A = tpu.sem_alloc : memref<!tpu.dma_semaphore, #tpu.memory_space<semaphore_mem>>
        %dma_start3A_40 = tpu.memref_slice %arg3[%mul3A_11] : memref<32768xi32, #tpu.memory_space<hbm>> -> memref<128xi32, #tpu.memory_space<hbm>>
        %dma_start3A_41 = tpu.memref_slice %arg3[%mul3A_11] : memref<32768xi32, #tpu.memory_space<hbm>> -> memref<128xi32, #tpu.memory_space<hbm>>
        tpu.enqueue_dma source(%dma_start3A_41 : memref<128xi32, #tpu.memory_space<hbm>>) target(%arg10 : memref<128xi32, #tpu.memory_space<vmem>>) target_semaphore(%run_scoped3A : memref<!tpu.dma_semaphore, #tpu.memory_space<semaphore_mem>>)
        %dma_wait3A_42 = tpu.memref_slice %arg3[%mul3A_11] : memref<32768xi32, #tpu.memory_space<hbm>> -> memref<128xi32, #tpu.memory_space<hbm>>
        %dma_wait3A_43 = tpu.memref_slice %arg3[%mul3A_11] : memref<32768xi32, #tpu.memory_space<hbm>> -> memref<128xi32, #tpu.memory_space<hbm>>
        tpu.wait_dma2 semaphore(%run_scoped3A : memref<!tpu.dma_semaphore, #tpu.memory_space<semaphore_mem>>) src(%dma_wait3A_43 : memref<128xi32, #tpu.memory_space<hbm>>) dst(%arg10 : memref<128xi32, #tpu.memory_space<vmem>>)
        tpu.yield
      }) : () -> ()
      "tpu.region"() ({
        %run_scoped3A = tpu.sem_alloc : memref<!tpu.dma_semaphore, #tpu.memory_space<semaphore_mem>>
        %dma_start3A_40 = tpu.memref_slice %arg4[%mul3A_11] : memref<32768xi32, #tpu.memory_space<hbm>> -> memref<128xi32, #tpu.memory_space<hbm>>
        %dma_start3A_41 = tpu.memref_slice %arg4[%mul3A_11] : memref<32768xi32, #tpu.memory_space<hbm>> -> memref<128xi32, #tpu.memory_space<hbm>>
        tpu.enqueue_dma source(%dma_start3A_41 : memref<128xi32, #tpu.memory_space<hbm>>) target(%arg11 : memref<128xi32, #tpu.memory_space<vmem>>) target_semaphore(%run_scoped3A : memref<!tpu.dma_semaphore, #tpu.memory_space<semaphore_mem>>)
        %dma_wait3A_42 = tpu.memref_slice %arg4[%mul3A_11] : memref<32768xi32, #tpu.memory_space<hbm>> -> memref<128xi32, #tpu.memory_space<hbm>>
        %dma_wait3A_43 = tpu.memref_slice %arg4[%mul3A_11] : memref<32768xi32, #tpu.memory_space<hbm>> -> memref<128xi32, #tpu.memory_space<hbm>>
        tpu.wait_dma2 semaphore(%run_scoped3A : memref<!tpu.dma_semaphore, #tpu.memory_space<semaphore_mem>>) src(%dma_wait3A_43 : memref<128xi32, #tpu.memory_space<hbm>>) dst(%arg11 : memref<128xi32, #tpu.memory_space<vmem>>)
        tpu.yield
      }) : () -> ()
      %dma_start3A = arith.constant 0 : i32
      %dma_start3A_12 = arith.constant 0 : i32
      %dma_start3A_13 = tpu.memref_slice %arg5[%dma_start3A, %dma_start3A_12] : memref<1000000x32xf32, #tpu.memory_space<hbm>> -> memref<1000000x32xf32, #tpu.memory_space<hbm>>
      tpu.enqueue_indirect_dma source(%dma_start3A_13 : memref<1000000x32xf32, #tpu.memory_space<hbm>>) target(%arg12 : memref<128x32xf32, #tpu.memory_space<vmem>>) offsets(%arg9 : memref<128xi32, #tpu.memory_space<vmem>>) semaphore(%arg17 : memref<!tpu.dma_semaphore, #tpu.memory_space<semaphore_mem>>)
      %dma_start3A_14 = arith.constant 0 : i32
      %dma_start3A_15 = arith.constant 0 : i32
      %dma_start3A_16 = tpu.memref_slice %arg6[%dma_start3A_14, %dma_start3A_15] : memref<1000000x32xf32, #tpu.memory_space<hbm>> -> memref<1000000x32xf32, #tpu.memory_space<hbm>>
      tpu.enqueue_indirect_dma source(%dma_start3A_16 : memref<1000000x32xf32, #tpu.memory_space<hbm>>) target(%arg13 : memref<128x32xf32, #tpu.memory_space<vmem>>) offsets(%arg10 : memref<128xi32, #tpu.memory_space<vmem>>) semaphore(%arg17 : memref<!tpu.dma_semaphore, #tpu.memory_space<semaphore_mem>>)
      %dma_start3A_17 = arith.constant 0 : i32
      %dma_start3A_18 = arith.constant 0 : i32
      %dma_start3A_19 = tpu.memref_slice %arg5[%dma_start3A_17, %dma_start3A_18] : memref<1000000x32xf32, #tpu.memory_space<hbm>> -> memref<1000000x32xf32, #tpu.memory_space<hbm>>
      tpu.enqueue_indirect_dma source(%dma_start3A_19 : memref<1000000x32xf32, #tpu.memory_space<hbm>>) target(%arg14 : memref<128x32xf32, #tpu.memory_space<vmem>>) offsets(%arg11 : memref<128xi32, #tpu.memory_space<vmem>>) semaphore(%arg17 : memref<!tpu.dma_semaphore, #tpu.memory_space<semaphore_mem>>)
      %dma_start3A_20 = arith.constant 0 : i32
      %dma_start3A_21 = arith.constant 0 : i32
      %dma_start3A_22 = tpu.memref_slice %arg7[%dma_start3A_20, %dma_start3A_21] : memref<1000000x32xf32, #tpu.memory_space<hbm>> -> memref<1000000x32xf32, #tpu.memory_space<hbm>>
      tpu.enqueue_indirect_dma source(%dma_start3A_22 : memref<1000000x32xf32, #tpu.memory_space<hbm>>) target(%arg15 : memref<128x32xf32, #tpu.memory_space<vmem>>) offsets(%arg10 : memref<128xi32, #tpu.memory_space<vmem>>) semaphore(%arg17 : memref<!tpu.dma_semaphore, #tpu.memory_space<semaphore_mem>>)
      %dma_wait3A = arith.constant 0 : i32
      %dma_wait3A_23 = arith.constant 0 : i32
      %dma_wait3A_24 = tpu.memref_slice %arg5[%dma_wait3A, %dma_wait3A_23] : memref<1000000x32xf32, #tpu.memory_space<hbm>> -> memref<1000000x32xf32, #tpu.memory_space<hbm>>
      tpu.wait_indirect_dma semaphore(%arg17 : memref<!tpu.dma_semaphore, #tpu.memory_space<semaphore_mem>>) src(%dma_wait3A_24 : memref<1000000x32xf32, #tpu.memory_space<hbm>>) dst(%arg12 : memref<128x32xf32, #tpu.memory_space<vmem>>)
      %dma_wait3A_25 = arith.constant 0 : i32
      %dma_wait3A_26 = arith.constant 0 : i32
      %dma_wait3A_27 = tpu.memref_slice %arg6[%dma_wait3A_25, %dma_wait3A_26] : memref<1000000x32xf32, #tpu.memory_space<hbm>> -> memref<1000000x32xf32, #tpu.memory_space<hbm>>
      tpu.wait_indirect_dma semaphore(%arg17 : memref<!tpu.dma_semaphore, #tpu.memory_space<semaphore_mem>>) src(%dma_wait3A_27 : memref<1000000x32xf32, #tpu.memory_space<hbm>>) dst(%arg13 : memref<128x32xf32, #tpu.memory_space<vmem>>)
      %dma_wait3A_28 = arith.constant 0 : i32
      %dma_wait3A_29 = arith.constant 0 : i32
      %dma_wait3A_30 = tpu.memref_slice %arg5[%dma_wait3A_28, %dma_wait3A_29] : memref<1000000x32xf32, #tpu.memory_space<hbm>> -> memref<1000000x32xf32, #tpu.memory_space<hbm>>
      tpu.wait_indirect_dma semaphore(%arg17 : memref<!tpu.dma_semaphore, #tpu.memory_space<semaphore_mem>>) src(%dma_wait3A_30 : memref<1000000x32xf32, #tpu.memory_space<hbm>>) dst(%arg14 : memref<128x32xf32, #tpu.memory_space<vmem>>)
      %dma_wait3A_31 = arith.constant 0 : i32
      %dma_wait3A_32 = arith.constant 0 : i32
      %dma_wait3A_33 = tpu.memref_slice %arg7[%dma_wait3A_31, %dma_wait3A_32] : memref<1000000x32xf32, #tpu.memory_space<hbm>> -> memref<1000000x32xf32, #tpu.memory_space<hbm>>
      tpu.wait_indirect_dma semaphore(%arg17 : memref<!tpu.dma_semaphore, #tpu.memory_space<semaphore_mem>>) src(%dma_wait3A_33 : memref<1000000x32xf32, #tpu.memory_space<hbm>>) dst(%arg15 : memref<128x32xf32, #tpu.memory_space<vmem>>)
      %scan3A_34 = arith.constant 0 : i32
      %scan3A_35 = arith.constant 0 : i32
      %scan3A_36 = arith.constant 8 : i32
      %scan3A_37 = arith.addi %scan3A_35, %scan3A_36 : i32
      %scan3A_38 = arith.constant 1 : i32
      scf.for %scan3A_40 = %scan3A_35 to %scan3A_37 step %scan3A_38  : i32 {
        %mul3A_41 = arith.constant 16 : i32
        %mul3A_42 = arith.muli %scan3A_40, %mul3A_41 : i32
        %add3A_43 = vector.broadcast %mul3A_42 : i32 to vector<16xi32>
        %add3A_44 = arith.addi %add3A_43, %iota3A : vector<16xi32>
        %broadcast_in_dim3A = arith.constant 0.000000e+00 : f32
        %broadcast_in_dim3A_45 = vector.broadcast %broadcast_in_dim3A : f32 to vector<16xf32>
        %broadcast_in_dim3A_46 = arith.constant 0 : i32
        %broadcast_in_dim3A_47 = vector.broadcast %broadcast_in_dim3A_46 : i32 to vector<16xi32>
        %gather3A = tpu.vector_load_idx %arg12[%add3A_44, %broadcast_in_dim3A_47] : memref<128x32xf32, #tpu.memory_space<vmem>>[vector<16xi32>, vector<16xi32>], vector<16xf32>,
        %gather3A_48 = tpu.vector_load_idx %arg13[%add3A_44, %broadcast_in_dim3A_47] : memref<128x32xf32, #tpu.memory_space<vmem>>[vector<16xi32>, vector<16xi32>], vector<16xf32>,
        %gather3A_49 = tpu.vector_load_idx %arg14[%add3A_44, %broadcast_in_dim3A_47] : memref<128x32xf32, #tpu.memory_space<vmem>>[vector<16xi32>, vector<16xi32>], vector<16xf32>,
        %gather3A_50 = tpu.vector_load_idx %arg15[%add3A_44, %broadcast_in_dim3A_47] : memref<128x32xf32, #tpu.memory_space<vmem>>[vector<16xi32>, vector<16xi32>], vector<16xf32>,
        %add3A_51 = arith.addf %gather3A, %gather3A_48 : vector<16xf32>
        %sub3A = arith.subf %add3A_51, %gather3A_49 : vector<16xf32>
        %mul3A_52 = arith.mulf %sub3A, %sub3A : vector<16xf32>
        %add3A_53 = arith.addf %broadcast_in_dim3A_45, %mul3A_52 : vector<16xf32>
        %mul3A_54 = arith.mulf %gather3A_50, %gather3A : vector<16xf32>
        %add3A_55 = arith.addf %broadcast_in_dim3A_45, %mul3A_54 : vector<16xf32>
        %mul3A_56 = arith.mulf %gather3A_50, %gather3A_49 : vector<16xf32>
        %add3A_57 = arith.addf %broadcast_in_dim3A_45, %mul3A_56 : vector<16xf32>
        %mul3A_58 = arith.mulf %gather3A_50, %gather3A_48 : vector<16xf32>
        %add3A_59 = arith.addf %broadcast_in_dim3A_45, %mul3A_58 : vector<16xf32>
        %mul3A_60 = arith.mulf %gather3A_50, %gather3A_50 : vector<16xf32>
        %add3A_61 = arith.addf %broadcast_in_dim3A_45, %mul3A_60 : vector<16xf32>
        %broadcast_in_dim3A_62 = arith.constant 1 : i32
        %broadcast_in_dim3A_63 = vector.broadcast %broadcast_in_dim3A_62 : i32 to vector<16xi32>
        %gather3A_64 = tpu.vector_load_idx %arg12[%add3A_44, %broadcast_in_dim3A_63] : memref<128x32xf32, #tpu.memory_space<vmem>>[vector<16xi32>, vector<16xi32>], vector<16xf32>,
        %gather3A_65 = tpu.vector_load_idx %arg13[%add3A_44, %broadcast_in_dim3A_63] : memref<128x32xf32, #tpu.memory_space<vmem>>[vector<16xi32>, vector<16xi32>], vector<16xf32>,
        %gather3A_66 = tpu.vector_load_idx %arg14[%add3A_44, %broadcast_in_dim3A_63] : memref<128x32xf32, #tpu.memory_space<vmem>>[vector<16xi32>, vector<16xi32>], vector<16xf32>,
        %gather3A_67 = tpu.vector_load_idx %arg15[%add3A_44, %broadcast_in_dim3A_63] : memref<128x32xf32, #tpu.memory_space<vmem>>[vector<16xi32>, vector<16xi32>], vector<16xf32>,
        %add3A_68 = arith.addf %gather3A_64, %gather3A_65 : vector<16xf32>
        %sub3A_69 = arith.subf %add3A_68, %gather3A_66 : vector<16xf32>
        %mul3A_70 = arith.mulf %sub3A_69, %sub3A_69 : vector<16xf32>
        %add3A_71 = arith.addf %add3A_53, %mul3A_70 : vector<16xf32>
        %mul3A_72 = arith.mulf %gather3A_67, %gather3A_64 : vector<16xf32>
        %add3A_73 = arith.addf %add3A_55, %mul3A_72 : vector<16xf32>
        %mul3A_74 = arith.mulf %gather3A_67, %gather3A_66 : vector<16xf32>
        %add3A_75 = arith.addf %add3A_57, %mul3A_74 : vector<16xf32>
        %mul3A_76 = arith.mulf %gather3A_67, %gather3A_65 : vector<16xf32>
        %add3A_77 = arith.addf %add3A_59, %mul3A_76 : vector<16xf32>
        %mul3A_78 = arith.mulf %gather3A_67, %gather3A_67 : vector<16xf32>
        %add3A_79 = arith.addf %add3A_61, %mul3A_78 : vector<16xf32>
        %broadcast_in_dim3A_80 = arith.constant 2 : i32
        %broadcast_in_dim3A_81 = vector.broadcast %broadcast_in_dim3A_80 : i32 to vector<16xi32>
        %gather3A_82 = tpu.vector_load_idx %arg12[%add3A_44, %broadcast_in_dim3A_81] : memref<128x32xf32, #tpu.memory_space<vmem>>[vector<16xi32>, vector<16xi32>], vector<16xf32>,
        %gather3A_83 = tpu.vector_load_idx %arg13[%add3A_44, %broadcast_in_dim3A_81] : memref<128x32xf32, #tpu.memory_space<vmem>>[vector<16xi32>, vector<16xi32>], vector<16xf32>,
        %gather3A_84 = tpu.vector_load_idx %arg14[%add3A_44, %broadcast_in_dim3A_81] : memref<128x32xf32, #tpu.memory_space<vmem>>[vector<16xi32>, vector<16xi32>], vector<16xf32>,
        %gather3A_85 = tpu.vector_load_idx %arg15[%add3A_44, %broadcast_in_dim3A_81] : memref<128x32xf32, #tpu.memory_space<vmem>>[vector<16xi32>, vector<16xi32>], vector<16xf32>,
        %add3A_86 = arith.addf %gather3A_82, %gather3A_83 : vector<16xf32>
        %sub3A_87 = arith.subf %add3A_86, %gather3A_84 : vector<16xf32>
        %mul3A_88 = arith.mulf %sub3A_87, %sub3A_87 : vector<16xf32>
        %add3A_89 = arith.addf %add3A_71, %mul3A_88 : vector<16xf32>
        %mul3A_90 = arith.mulf %gather3A_85, %gather3A_82 : vector<16xf32>
        %add3A_91 = arith.addf %add3A_73, %mul3A_90 : vector<16xf32>
        %mul3A_92 = arith.mulf %gather3A_85, %gather3A_84 : vector<16xf32>
        %add3A_93 = arith.addf %add3A_75, %mul3A_92 : vector<16xf32>
        %mul3A_94 = arith.mulf %gather3A_85, %gather3A_83 : vector<16xf32>
        %add3A_95 = arith.addf %add3A_77, %mul3A_94 : vector<16xf32>
        %mul3A_96 = arith.mulf %gather3A_85, %gather3A_85 : vector<16xf32>
        %add3A_97 = arith.addf %add3A_79, %mul3A_96 : vector<16xf32>
        %broadcast_in_dim3A_98 = arith.constant 3 : i32
        %broadcast_in_dim3A_99 = vector.broadcast %broadcast_in_dim3A_98 : i32 to vector<16xi32>
        %gather3A_100 = tpu.vector_load_idx %arg12[%add3A_44, %broadcast_in_dim3A_99] : memref<128x32xf32, #tpu.memory_space<vmem>>[vector<16xi32>, vector<16xi32>], vector<16xf32>,
        %gather3A_101 = tpu.vector_load_idx %arg13[%add3A_44, %broadcast_in_dim3A_99] : memref<128x32xf32, #tpu.memory_space<vmem>>[vector<16xi32>, vector<16xi32>], vector<16xf32>,
        %gather3A_102 = tpu.vector_load_idx %arg14[%add3A_44, %broadcast_in_dim3A_99] : memref<128x32xf32, #tpu.memory_space<vmem>>[vector<16xi32>, vector<16xi32>], vector<16xf32>,
        %gather3A_103 = tpu.vector_load_idx %arg15[%add3A_44, %broadcast_in_dim3A_99] : memref<128x32xf32, #tpu.memory_space<vmem>>[vector<16xi32>, vector<16xi32>], vector<16xf32>,
        %add3A_104 = arith.addf %gather3A_100, %gather3A_101 : vector<16xf32>
        %sub3A_105 = arith.subf %add3A_104, %gather3A_102 : vector<16xf32>
        %mul3A_106 = arith.mulf %sub3A_105, %sub3A_105 : vector<16xf32>
        %add3A_107 = arith.addf %add3A_89, %mul3A_106 : vector<16xf32>
        %mul3A_108 = arith.mulf %gather3A_103, %gather3A_100 : vector<16xf32>
        %add3A_109 = arith.addf %add3A_91, %mul3A_108 : vector<16xf32>
        %mul3A_110 = arith.mulf %gather3A_103, %gather3A_102 : vector<16xf32>
        %add3A_111 = arith.addf %add3A_93, %mul3A_110 : vector<16xf32>
        %mul3A_112 = arith.mulf %gather3A_103, %gather3A_101 : vector<16xf32>
        %add3A_113 = arith.addf %add3A_95, %mul3A_112 : vector<16xf32>
        %mul3A_114 = arith.mulf %gather3A_103, %gather3A_103 : vector<16xf32>
        %add3A_115 = arith.addf %add3A_97, %mul3A_114 : vector<16xf32>
        %broadcast_in_dim3A_116 = arith.constant 4 : i32
        %broadcast_in_dim3A_117 = vector.broadcast %broadcast_in_dim3A_116 : i32 to vector<16xi32>
        %gather3A_118 = tpu.vector_load_idx %arg12[%add3A_44, %broadcast_in_dim3A_117] : memref<128x32xf32, #tpu.memory_space<vmem>>[vector<16xi32>, vector<16xi32>], vector<16xf32>,
        %gather3A_119 = tpu.vector_load_idx %arg13[%add3A_44, %broadcast_in_dim3A_117] : memref<128x32xf32, #tpu.memory_space<vmem>>[vector<16xi32>, vector<16xi32>], vector<16xf32>,
        %gather3A_120 = tpu.vector_load_idx %arg14[%add3A_44, %broadcast_in_dim3A_117] : memref<128x32xf32, #tpu.memory_space<vmem>>[vector<16xi32>, vector<16xi32>], vector<16xf32>,
        %gather3A_121 = tpu.vector_load_idx %arg15[%add3A_44, %broadcast_in_dim3A_117] : memref<128x32xf32, #tpu.memory_space<vmem>>[vector<16xi32>, vector<16xi32>], vector<16xf32>,
        %add3A_122 = arith.addf %gather3A_118, %gather3A_119 : vector<16xf32>
        %sub3A_123 = arith.subf %add3A_122, %gather3A_120 : vector<16xf32>
        %mul3A_124 = arith.mulf %sub3A_123, %sub3A_123 : vector<16xf32>
        %add3A_125 = arith.addf %add3A_107, %mul3A_124 : vector<16xf32>
        %mul3A_126 = arith.mulf %gather3A_121, %gather3A_118 : vector<16xf32>
        %add3A_127 = arith.addf %add3A_109, %mul3A_126 : vector<16xf32>
        %mul3A_128 = arith.mulf %gather3A_121, %gather3A_120 : vector<16xf32>
        %add3A_129 = arith.addf %add3A_111, %mul3A_128 : vector<16xf32>
        %mul3A_130 = arith.mulf %gather3A_121, %gather3A_119 : vector<16xf32>
        %add3A_131 = arith.addf %add3A_113, %mul3A_130 : vector<16xf32>
        %mul3A_132 = arith.mulf %gather3A_121, %gather3A_121 : vector<16xf32>
        %add3A_133 = arith.addf %add3A_115, %mul3A_132 : vector<16xf32>
        %broadcast_in_dim3A_134 = arith.constant 5 : i32
        %broadcast_in_dim3A_135 = vector.broadcast %broadcast_in_dim3A_134 : i32 to vector<16xi32>
        %gather3A_136 = tpu.vector_load_idx %arg12[%add3A_44, %broadcast_in_dim3A_135] : memref<128x32xf32, #tpu.memory_space<vmem>>[vector<16xi32>, vector<16xi32>], vector<16xf32>,
        %gather3A_137 = tpu.vector_load_idx %arg13[%add3A_44, %broadcast_in_dim3A_135] : memref<128x32xf32, #tpu.memory_space<vmem>>[vector<16xi32>, vector<16xi32>], vector<16xf32>,
        %gather3A_138 = tpu.vector_load_idx %arg14[%add3A_44, %broadcast_in_dim3A_135] : memref<128x32xf32, #tpu.memory_space<vmem>>[vector<16xi32>, vector<16xi32>], vector<16xf32>,
        %gather3A_139 = tpu.vector_load_idx %arg15[%add3A_44, %broadcast_in_dim3A_135] : memref<128x32xf32, #tpu.memory_space<vmem>>[vector<16xi32>, vector<16xi32>], vector<16xf32>,
        %add3A_140 = arith.addf %gather3A_136, %gather3A_137 : vector<16xf32>
        %sub3A_141 = arith.subf %add3A_140, %gather3A_138 : vector<16xf32>
        %mul3A_142 = arith.mulf %sub3A_141, %sub3A_141 : vector<16xf32>
        %add3A_143 = arith.addf %add3A_125, %mul3A_142 : vector<16xf32>
        %mul3A_144 = arith.mulf %gather3A_139, %gather3A_136 : vector<16xf32>
        %add3A_145 = arith.addf %add3A_127, %mul3A_144 : vector<16xf32>
        %mul3A_146 = arith.mulf %gather3A_139, %gather3A_138 : vector<16xf32>
        %add3A_147 = arith.addf %add3A_129, %mul3A_146 : vector<16xf32>
        %mul3A_148 = arith.mulf %gather3A_139, %gather3A_137 : vector<16xf32>
        %add3A_149 = arith.addf %add3A_131, %mul3A_148 : vector<16xf32>
        %mul3A_150 = arith.mulf %gather3A_139, %gather3A_139 : vector<16xf32>
        %add3A_151 = arith.addf %add3A_133, %mul3A_150 : vector<16xf32>
        %broadcast_in_dim3A_152 = arith.constant 6 : i32
        %broadcast_in_dim3A_153 = vector.broadcast %broadcast_in_dim3A_152 : i32 to vector<16xi32>
        %gather3A_154 = tpu.vector_load_idx %arg12[%add3A_44, %broadcast_in_dim3A_153] : memref<128x32xf32, #tpu.memory_space<vmem>>[vector<16xi32>, vector<16xi32>], vector<16xf32>,
        %gather3A_155 = tpu.vector_load_idx %arg13[%add3A_44, %broadcast_in_dim3A_153] : memref<128x32xf32, #tpu.memory_space<vmem>>[vector<16xi32>, vector<16xi32>], vector<16xf32>,
        %gather3A_156 = tpu.vector_load_idx %arg14[%add3A_44, %broadcast_in_dim3A_153] : memref<128x32xf32, #tpu.memory_space<vmem>>[vector<16xi32>, vector<16xi32>], vector<16xf32>,
        %gather3A_157 = tpu.vector_load_idx %arg15[%add3A_44, %broadcast_in_dim3A_153] : memref<128x32xf32, #tpu.memory_space<vmem>>[vector<16xi32>, vector<16xi32>], vector<16xf32>,
        %add3A_158 = arith.addf %gather3A_154, %gather3A_155 : vector<16xf32>
        %sub3A_159 = arith.subf %add3A_158, %gather3A_156 : vector<16xf32>
        %mul3A_160 = arith.mulf %sub3A_159, %sub3A_159 : vector<16xf32>
        %add3A_161 = arith.addf %add3A_143, %mul3A_160 : vector<16xf32>
        %mul3A_162 = arith.mulf %gather3A_157, %gather3A_154 : vector<16xf32>
        %add3A_163 = arith.addf %add3A_145, %mul3A_162 : vector<16xf32>
        %mul3A_164 = arith.mulf %gather3A_157, %gather3A_156 : vector<16xf32>
        %add3A_165 = arith.addf %add3A_147, %mul3A_164 : vector<16xf32>
        %mul3A_166 = arith.mulf %gather3A_157, %gather3A_155 : vector<16xf32>
        %add3A_167 = arith.addf %add3A_149, %mul3A_166 : vector<16xf32>
        %mul3A_168 = arith.mulf %gather3A_157, %gather3A_157 : vector<16xf32>
        %add3A_169 = arith.addf %add3A_151, %mul3A_168 : vector<16xf32>
        %broadcast_in_dim3A_170 = arith.constant 7 : i32
        %broadcast_in_dim3A_171 = vector.broadcast %broadcast_in_dim3A_170 : i32 to vector<16xi32>
        %gather3A_172 = tpu.vector_load_idx %arg12[%add3A_44, %broadcast_in_dim3A_171] : memref<128x32xf32, #tpu.memory_space<vmem>>[vector<16xi32>, vector<16xi32>], vector<16xf32>,
        %gather3A_173 = tpu.vector_load_idx %arg13[%add3A_44, %broadcast_in_dim3A_171] : memref<128x32xf32, #tpu.memory_space<vmem>>[vector<16xi32>, vector<16xi32>], vector<16xf32>,
        %gather3A_174 = tpu.vector_load_idx %arg14[%add3A_44, %broadcast_in_dim3A_171] : memref<128x32xf32, #tpu.memory_space<vmem>>[vector<16xi32>, vector<16xi32>], vector<16xf32>,
        %gather3A_175 = tpu.vector_load_idx %arg15[%add3A_44, %broadcast_in_dim3A_171] : memref<128x32xf32, #tpu.memory_space<vmem>>[vector<16xi32>, vector<16xi32>], vector<16xf32>,
        %add3A_176 = arith.addf %gather3A_172, %gather3A_173 : vector<16xf32>
        %sub3A_177 = arith.subf %add3A_176, %gather3A_174 : vector<16xf32>
        %mul3A_178 = arith.mulf %sub3A_177, %sub3A_177 : vector<16xf32>
        %add3A_179 = arith.addf %add3A_161, %mul3A_178 : vector<16xf32>
        %mul3A_180 = arith.mulf %gather3A_175, %gather3A_172 : vector<16xf32>
        %add3A_181 = arith.addf %add3A_163, %mul3A_180 : vector<16xf32>
        %mul3A_182 = arith.mulf %gather3A_175, %gather3A_174 : vector<16xf32>
        %add3A_183 = arith.addf %add3A_165, %mul3A_182 : vector<16xf32>
        %mul3A_184 = arith.mulf %gather3A_175, %gather3A_173 : vector<16xf32>
        %add3A_185 = arith.addf %add3A_167, %mul3A_184 : vector<16xf32>
        %mul3A_186 = arith.mulf %gather3A_175, %gather3A_175 : vector<16xf32>
        %add3A_187 = arith.addf %add3A_169, %mul3A_186 : vector<16xf32>
        %broadcast_in_dim3A_188 = arith.constant 8 : i32
        %broadcast_in_dim3A_189 = vector.broadcast %broadcast_in_dim3A_188 : i32 to vector<16xi32>
        %gather3A_190 = tpu.vector_load_idx %arg12[%add3A_44, %broadcast_in_dim3A_189] : memref<128x32xf32, #tpu.memory_space<vmem>>[vector<16xi32>, vector<16xi32>], vector<16xf32>,
        %gather3A_191 = tpu.vector_load_idx %arg13[%add3A_44, %broadcast_in_dim3A_189] : memref<128x32xf32, #tpu.memory_space<vmem>>[vector<16xi32>, vector<16xi32>], vector<16xf32>,
        %gather3A_192 = tpu.vector_load_idx %arg14[%add3A_44, %broadcast_in_dim3A_189] : memref<128x32xf32, #tpu.memory_space<vmem>>[vector<16xi32>, vector<16xi32>], vector<16xf32>,
        %gather3A_193 = tpu.vector_load_idx %arg15[%add3A_44, %broadcast_in_dim3A_189] : memref<128x32xf32, #tpu.memory_space<vmem>>[vector<16xi32>, vector<16xi32>], vector<16xf32>,
        %add3A_194 = arith.addf %gather3A_190, %gather3A_191 : vector<16xf32>
        %sub3A_195 = arith.subf %add3A_194, %gather3A_192 : vector<16xf32>
        %mul3A_196 = arith.mulf %sub3A_195, %sub3A_195 : vector<16xf32>
        %add3A_197 = arith.addf %add3A_179, %mul3A_196 : vector<16xf32>
        %mul3A_198 = arith.mulf %gather3A_193, %gather3A_190 : vector<16xf32>
        %add3A_199 = arith.addf %add3A_181, %mul3A_198 : vector<16xf32>
        %mul3A_200 = arith.mulf %gather3A_193, %gather3A_192 : vector<16xf32>
        %add3A_201 = arith.addf %add3A_183, %mul3A_200 : vector<16xf32>
        %mul3A_202 = arith.mulf %gather3A_193, %gather3A_191 : vector<16xf32>
        %add3A_203 = arith.addf %add3A_185, %mul3A_202 : vector<16xf32>
        %mul3A_204 = arith.mulf %gather3A_193, %gather3A_193 : vector<16xf32>
        %add3A_205 = arith.addf %add3A_187, %mul3A_204 : vector<16xf32>
        %broadcast_in_dim3A_206 = arith.constant 9 : i32
        %broadcast_in_dim3A_207 = vector.broadcast %broadcast_in_dim3A_206 : i32 to vector<16xi32>
        %gather3A_208 = tpu.vector_load_idx %arg12[%add3A_44, %broadcast_in_dim3A_207] : memref<128x32xf32, #tpu.memory_space<vmem>>[vector<16xi32>, vector<16xi32>], vector<16xf32>,
        %gather3A_209 = tpu.vector_load_idx %arg13[%add3A_44, %broadcast_in_dim3A_207] : memref<128x32xf32, #tpu.memory_space<vmem>>[vector<16xi32>, vector<16xi32>], vector<16xf32>,
        %gather3A_210 = tpu.vector_load_idx %arg14[%add3A_44, %broadcast_in_dim3A_207] : memref<128x32xf32, #tpu.memory_space<vmem>>[vector<16xi32>, vector<16xi32>], vector<16xf32>,
        %gather3A_211 = tpu.vector_load_idx %arg15[%add3A_44, %broadcast_in_dim3A_207] : memref<128x32xf32, #tpu.memory_space<vmem>>[vector<16xi32>, vector<16xi32>], vector<16xf32>,
        %add3A_212 = arith.addf %gather3A_208, %gather3A_209 : vector<16xf32>
        %sub3A_213 = arith.subf %add3A_212, %gather3A_210 : vector<16xf32>
        %mul3A_214 = arith.mulf %sub3A_213, %sub3A_213 : vector<16xf32>
        %add3A_215 = arith.addf %add3A_197, %mul3A_214 : vector<16xf32>
        %mul3A_216 = arith.mulf %gather3A_211, %gather3A_208 : vector<16xf32>
        %add3A_217 = arith.addf %add3A_199, %mul3A_216 : vector<16xf32>
        %mul3A_218 = arith.mulf %gather3A_211, %gather3A_210 : vector<16xf32>
        %add3A_219 = arith.addf %add3A_201, %mul3A_218 : vector<16xf32>
        %mul3A_220 = arith.mulf %gather3A_211, %gather3A_209 : vector<16xf32>
        %add3A_221 = arith.addf %add3A_203, %mul3A_220 : vector<16xf32>
        %mul3A_222 = arith.mulf %gather3A_211, %gather3A_211 : vector<16xf32>
        %add3A_223 = arith.addf %add3A_205, %mul3A_222 : vector<16xf32>
        %broadcast_in_dim3A_224 = arith.constant 10 : i32
        %broadcast_in_dim3A_225 = vector.broadcast %broadcast_in_dim3A_224 : i32 to vector<16xi32>
        %gather3A_226 = tpu.vector_load_idx %arg12[%add3A_44, %broadcast_in_dim3A_225] : memref<128x32xf32, #tpu.memory_space<vmem>>[vector<16xi32>, vector<16xi32>], vector<16xf32>,
        %gather3A_227 = tpu.vector_load_idx %arg13[%add3A_44, %broadcast_in_dim3A_225] : memref<128x32xf32, #tpu.memory_space<vmem>>[vector<16xi32>, vector<16xi32>], vector<16xf32>,
        %gather3A_228 = tpu.vector_load_idx %arg14[%add3A_44, %broadcast_in_dim3A_225] : memref<128x32xf32, #tpu.memory_space<vmem>>[vector<16xi32>, vector<16xi32>], vector<16xf32>,
        %gather3A_229 = tpu.vector_load_idx %arg15[%add3A_44, %broadcast_in_dim3A_225] : memref<128x32xf32, #tpu.memory_space<vmem>>[vector<16xi32>, vector<16xi32>], vector<16xf32>,
        %add3A_230 = arith.addf %gather3A_226, %gather3A_227 : vector<16xf32>
        %sub3A_231 = arith.subf %add3A_230, %gather3A_228 : vector<16xf32>
        %mul3A_232 = arith.mulf %sub3A_231, %sub3A_231 : vector<16xf32>
        %add3A_233 = arith.addf %add3A_215, %mul3A_232 : vector<16xf32>
        %mul3A_234 = arith.mulf %gather3A_229, %gather3A_226 : vector<16xf32>
        %add3A_235 = arith.addf %add3A_217, %mul3A_234 : vector<16xf32>
        %mul3A_236 = arith.mulf %gather3A_229, %gather3A_228 : vector<16xf32>
        %add3A_237 = arith.addf %add3A_219, %mul3A_236 : vector<16xf32>
        %mul3A_238 = arith.mulf %gather3A_229, %gather3A_227 : vector<16xf32>
        %add3A_239 = arith.addf %add3A_221, %mul3A_238 : vector<16xf32>
        %mul3A_240 = arith.mulf %gather3A_229, %gather3A_229 : vector<16xf32>
        %add3A_241 = arith.addf %add3A_223, %mul3A_240 : vector<16xf32>
        %broadcast_in_dim3A_242 = arith.constant 11 : i32
        %broadcast_in_dim3A_243 = vector.broadcast %broadcast_in_dim3A_242 : i32 to vector<16xi32>
        %gather3A_244 = tpu.vector_load_idx %arg12[%add3A_44, %broadcast_in_dim3A_243] : memref<128x32xf32, #tpu.memory_space<vmem>>[vector<16xi32>, vector<16xi32>], vector<16xf32>,
        %gather3A_245 = tpu.vector_load_idx %arg13[%add3A_44, %broadcast_in_dim3A_243] : memref<128x32xf32, #tpu.memory_space<vmem>>[vector<16xi32>, vector<16xi32>], vector<16xf32>,
        %gather3A_246 = tpu.vector_load_idx %arg14[%add3A_44, %broadcast_in_dim3A_243] : memref<128x32xf32, #tpu.memory_space<vmem>>[vector<16xi32>, vector<16xi32>], vector<16xf32>,
        %gather3A_247 = tpu.vector_load_idx %arg15[%add3A_44, %broadcast_in_dim3A_243] : memref<128x32xf32, #tpu.memory_space<vmem>>[vector<16xi32>, vector<16xi32>], vector<16xf32>,
        %add3A_248 = arith.addf %gather3A_244, %gather3A_245 : vector<16xf32>
        %sub3A_249 = arith.subf %add3A_248, %gather3A_246 : vector<16xf32>
        %mul3A_250 = arith.mulf %sub3A_249, %sub3A_249 : vector<16xf32>
        %add3A_251 = arith.addf %add3A_233, %mul3A_250 : vector<16xf32>
        %mul3A_252 = arith.mulf %gather3A_247, %gather3A_244 : vector<16xf32>
        %add3A_253 = arith.addf %add3A_235, %mul3A_252 : vector<16xf32>
        %mul3A_254 = arith.mulf %gather3A_247, %gather3A_246 : vector<16xf32>
        %add3A_255 = arith.addf %add3A_237, %mul3A_254 : vector<16xf32>
        %mul3A_256 = arith.mulf %gather3A_247, %gather3A_245 : vector<16xf32>
        %add3A_257 = arith.addf %add3A_239, %mul3A_256 : vector<16xf32>
        %mul3A_258 = arith.mulf %gather3A_247, %gather3A_247 : vector<16xf32>
        %add3A_259 = arith.addf %add3A_241, %mul3A_258 : vector<16xf32>
        %broadcast_in_dim3A_260 = arith.constant 12 : i32
        %broadcast_in_dim3A_261 = vector.broadcast %broadcast_in_dim3A_260 : i32 to vector<16xi32>
        %gather3A_262 = tpu.vector_load_idx %arg12[%add3A_44, %broadcast_in_dim3A_261] : memref<128x32xf32, #tpu.memory_space<vmem>>[vector<16xi32>, vector<16xi32>], vector<16xf32>,
        %gather3A_263 = tpu.vector_load_idx %arg13[%add3A_44, %broadcast_in_dim3A_261] : memref<128x32xf32, #tpu.memory_space<vmem>>[vector<16xi32>, vector<16xi32>], vector<16xf32>,
        %gather3A_264 = tpu.vector_load_idx %arg14[%add3A_44, %broadcast_in_dim3A_261] : memref<128x32xf32, #tpu.memory_space<vmem>>[vector<16xi32>, vector<16xi32>], vector<16xf32>,
        %gather3A_265 = tpu.vector_load_idx %arg15[%add3A_44, %broadcast_in_dim3A_261] : memref<128x32xf32, #tpu.memory_space<vmem>>[vector<16xi32>, vector<16xi32>], vector<16xf32>,
        %add3A_266 = arith.addf %gather3A_262, %gather3A_263 : vector<16xf32>
        %sub3A_267 = arith.subf %add3A_266, %gather3A_264 : vector<16xf32>
        %mul3A_268 = arith.mulf %sub3A_267, %sub3A_267 : vector<16xf32>
        %add3A_269 = arith.addf %add3A_251, %mul3A_268 : vector<16xf32>
        %mul3A_270 = arith.mulf %gather3A_265, %gather3A_262 : vector<16xf32>
        %add3A_271 = arith.addf %add3A_253, %mul3A_270 : vector<16xf32>
        %mul3A_272 = arith.mulf %gather3A_265, %gather3A_264 : vector<16xf32>
        %add3A_273 = arith.addf %add3A_255, %mul3A_272 : vector<16xf32>
        %mul3A_274 = arith.mulf %gather3A_265, %gather3A_263 : vector<16xf32>
        %add3A_275 = arith.addf %add3A_257, %mul3A_274 : vector<16xf32>
        %mul3A_276 = arith.mulf %gather3A_265, %gather3A_265 : vector<16xf32>
        %add3A_277 = arith.addf %add3A_259, %mul3A_276 : vector<16xf32>
        %broadcast_in_dim3A_278 = arith.constant 13 : i32
        %broadcast_in_dim3A_279 = vector.broadcast %broadcast_in_dim3A_278 : i32 to vector<16xi32>
        %gather3A_280 = tpu.vector_load_idx %arg12[%add3A_44, %broadcast_in_dim3A_279] : memref<128x32xf32, #tpu.memory_space<vmem>>[vector<16xi32>, vector<16xi32>], vector<16xf32>,
        %gather3A_281 = tpu.vector_load_idx %arg13[%add3A_44, %broadcast_in_dim3A_279] : memref<128x32xf32, #tpu.memory_space<vmem>>[vector<16xi32>, vector<16xi32>], vector<16xf32>,
        %gather3A_282 = tpu.vector_load_idx %arg14[%add3A_44, %broadcast_in_dim3A_279] : memref<128x32xf32, #tpu.memory_space<vmem>>[vector<16xi32>, vector<16xi32>], vector<16xf32>,
        %gather3A_283 = tpu.vector_load_idx %arg15[%add3A_44, %broadcast_in_dim3A_279] : memref<128x32xf32, #tpu.memory_space<vmem>>[vector<16xi32>, vector<16xi32>], vector<16xf32>,
        %add3A_284 = arith.addf %gather3A_280, %gather3A_281 : vector<16xf32>
        %sub3A_285 = arith.subf %add3A_284, %gather3A_282 : vector<16xf32>
        %mul3A_286 = arith.mulf %sub3A_285, %sub3A_285 : vector<16xf32>
        %add3A_287 = arith.addf %add3A_269, %mul3A_286 : vector<16xf32>
        %mul3A_288 = arith.mulf %gather3A_283, %gather3A_280 : vector<16xf32>
        %add3A_289 = arith.addf %add3A_271, %mul3A_288 : vector<16xf32>
        %mul3A_290 = arith.mulf %gather3A_283, %gather3A_282 : vector<16xf32>
        %add3A_291 = arith.addf %add3A_273, %mul3A_290 : vector<16xf32>
        %mul3A_292 = arith.mulf %gather3A_283, %gather3A_281 : vector<16xf32>
        %add3A_293 = arith.addf %add3A_275, %mul3A_292 : vector<16xf32>
        %mul3A_294 = arith.mulf %gather3A_283, %gather3A_283 : vector<16xf32>
        %add3A_295 = arith.addf %add3A_277, %mul3A_294 : vector<16xf32>
        %broadcast_in_dim3A_296 = arith.constant 14 : i32
        %broadcast_in_dim3A_297 = vector.broadcast %broadcast_in_dim3A_296 : i32 to vector<16xi32>
        %gather3A_298 = tpu.vector_load_idx %arg12[%add3A_44, %broadcast_in_dim3A_297] : memref<128x32xf32, #tpu.memory_space<vmem>>[vector<16xi32>, vector<16xi32>], vector<16xf32>,
        %gather3A_299 = tpu.vector_load_idx %arg13[%add3A_44, %broadcast_in_dim3A_297] : memref<128x32xf32, #tpu.memory_space<vmem>>[vector<16xi32>, vector<16xi32>], vector<16xf32>,
        %gather3A_300 = tpu.vector_load_idx %arg14[%add3A_44, %broadcast_in_dim3A_297] : memref<128x32xf32, #tpu.memory_space<vmem>>[vector<16xi32>, vector<16xi32>], vector<16xf32>,
        %gather3A_301 = tpu.vector_load_idx %arg15[%add3A_44, %broadcast_in_dim3A_297] : memref<128x32xf32, #tpu.memory_space<vmem>>[vector<16xi32>, vector<16xi32>], vector<16xf32>,
        %add3A_302 = arith.addf %gather3A_298, %gather3A_299 : vector<16xf32>
        %sub3A_303 = arith.subf %add3A_302, %gather3A_300 : vector<16xf32>
        %mul3A_304 = arith.mulf %sub3A_303, %sub3A_303 : vector<16xf32>
        %add3A_305 = arith.addf %add3A_287, %mul3A_304 : vector<16xf32>
        %mul3A_306 = arith.mulf %gather3A_301, %gather3A_298 : vector<16xf32>
        %add3A_307 = arith.addf %add3A_289, %mul3A_306 : vector<16xf32>
        %mul3A_308 = arith.mulf %gather3A_301, %gather3A_300 : vector<16xf32>
        %add3A_309 = arith.addf %add3A_291, %mul3A_308 : vector<16xf32>
        %mul3A_310 = arith.mulf %gather3A_301, %gather3A_299 : vector<16xf32>
        %add3A_311 = arith.addf %add3A_293, %mul3A_310 : vector<16xf32>
        %mul3A_312 = arith.mulf %gather3A_301, %gather3A_301 : vector<16xf32>
        %add3A_313 = arith.addf %add3A_295, %mul3A_312 : vector<16xf32>
        %broadcast_in_dim3A_314 = arith.constant 15 : i32
        %broadcast_in_dim3A_315 = vector.broadcast %broadcast_in_dim3A_314 : i32 to vector<16xi32>
        %gather3A_316 = tpu.vector_load_idx %arg12[%add3A_44, %broadcast_in_dim3A_315] : memref<128x32xf32, #tpu.memory_space<vmem>>[vector<16xi32>, vector<16xi32>], vector<16xf32>,
        %gather3A_317 = tpu.vector_load_idx %arg13[%add3A_44, %broadcast_in_dim3A_315] : memref<128x32xf32, #tpu.memory_space<vmem>>[vector<16xi32>, vector<16xi32>], vector<16xf32>,
        %gather3A_318 = tpu.vector_load_idx %arg14[%add3A_44, %broadcast_in_dim3A_315] : memref<128x32xf32, #tpu.memory_space<vmem>>[vector<16xi32>, vector<16xi32>], vector<16xf32>,
        %gather3A_319 = tpu.vector_load_idx %arg15[%add3A_44, %broadcast_in_dim3A_315] : memref<128x32xf32, #tpu.memory_space<vmem>>[vector<16xi32>, vector<16xi32>], vector<16xf32>,
        %add3A_320 = arith.addf %gather3A_316, %gather3A_317 : vector<16xf32>
        %sub3A_321 = arith.subf %add3A_320, %gather3A_318 : vector<16xf32>
        %mul3A_322 = arith.mulf %sub3A_321, %sub3A_321 : vector<16xf32>
        %add3A_323 = arith.addf %add3A_305, %mul3A_322 : vector<16xf32>
        %mul3A_324 = arith.mulf %gather3A_319, %gather3A_316 : vector<16xf32>
        %add3A_325 = arith.addf %add3A_307, %mul3A_324 : vector<16xf32>
        %mul3A_326 = arith.mulf %gather3A_319, %gather3A_318 : vector<16xf32>
        %add3A_327 = arith.addf %add3A_309, %mul3A_326 : vector<16xf32>
        %mul3A_328 = arith.mulf %gather3A_319, %gather3A_317 : vector<16xf32>
        %add3A_329 = arith.addf %add3A_311, %mul3A_328 : vector<16xf32>
        %mul3A_330 = arith.mulf %gather3A_319, %gather3A_319 : vector<16xf32>
        %add3A_331 = arith.addf %add3A_313, %mul3A_330 : vector<16xf32>
        %broadcast_in_dim3A_332 = arith.constant 16 : i32
        %broadcast_in_dim3A_333 = vector.broadcast %broadcast_in_dim3A_332 : i32 to vector<16xi32>
        %gather3A_334 = tpu.vector_load_idx %arg12[%add3A_44, %broadcast_in_dim3A_333] : memref<128x32xf32, #tpu.memory_space<vmem>>[vector<16xi32>, vector<16xi32>], vector<16xf32>,
        %gather3A_335 = tpu.vector_load_idx %arg13[%add3A_44, %broadcast_in_dim3A_333] : memref<128x32xf32, #tpu.memory_space<vmem>>[vector<16xi32>, vector<16xi32>], vector<16xf32>,
        %gather3A_336 = tpu.vector_load_idx %arg14[%add3A_44, %broadcast_in_dim3A_333] : memref<128x32xf32, #tpu.memory_space<vmem>>[vector<16xi32>, vector<16xi32>], vector<16xf32>,
        %gather3A_337 = tpu.vector_load_idx %arg15[%add3A_44, %broadcast_in_dim3A_333] : memref<128x32xf32, #tpu.memory_space<vmem>>[vector<16xi32>, vector<16xi32>], vector<16xf32>,
        %add3A_338 = arith.addf %gather3A_334, %gather3A_335 : vector<16xf32>
        %sub3A_339 = arith.subf %add3A_338, %gather3A_336 : vector<16xf32>
        %mul3A_340 = arith.mulf %sub3A_339, %sub3A_339 : vector<16xf32>
        %add3A_341 = arith.addf %add3A_323, %mul3A_340 : vector<16xf32>
        %mul3A_342 = arith.mulf %gather3A_337, %gather3A_334 : vector<16xf32>
        %add3A_343 = arith.addf %add3A_325, %mul3A_342 : vector<16xf32>
        %mul3A_344 = arith.mulf %gather3A_337, %gather3A_336 : vector<16xf32>
        %add3A_345 = arith.addf %add3A_327, %mul3A_344 : vector<16xf32>
        %mul3A_346 = arith.mulf %gather3A_337, %gather3A_335 : vector<16xf32>
        %add3A_347 = arith.addf %add3A_329, %mul3A_346 : vector<16xf32>
        %mul3A_348 = arith.mulf %gather3A_337, %gather3A_337 : vector<16xf32>
        %add3A_349 = arith.addf %add3A_331, %mul3A_348 : vector<16xf32>
        %broadcast_in_dim3A_350 = arith.constant 17 : i32
        %broadcast_in_dim3A_351 = vector.broadcast %broadcast_in_dim3A_350 : i32 to vector<16xi32>
        %gather3A_352 = tpu.vector_load_idx %arg12[%add3A_44, %broadcast_in_dim3A_351] : memref<128x32xf32, #tpu.memory_space<vmem>>[vector<16xi32>, vector<16xi32>], vector<16xf32>,
        %gather3A_353 = tpu.vector_load_idx %arg13[%add3A_44, %broadcast_in_dim3A_351] : memref<128x32xf32, #tpu.memory_space<vmem>>[vector<16xi32>, vector<16xi32>], vector<16xf32>,
        %gather3A_354 = tpu.vector_load_idx %arg14[%add3A_44, %broadcast_in_dim3A_351] : memref<128x32xf32, #tpu.memory_space<vmem>>[vector<16xi32>, vector<16xi32>], vector<16xf32>,
        %gather3A_355 = tpu.vector_load_idx %arg15[%add3A_44, %broadcast_in_dim3A_351] : memref<128x32xf32, #tpu.memory_space<vmem>>[vector<16xi32>, vector<16xi32>], vector<16xf32>,
        %add3A_356 = arith.addf %gather3A_352, %gather3A_353 : vector<16xf32>
        %sub3A_357 = arith.subf %add3A_356, %gather3A_354 : vector<16xf32>
        %mul3A_358 = arith.mulf %sub3A_357, %sub3A_357 : vector<16xf32>
        %add3A_359 = arith.addf %add3A_341, %mul3A_358 : vector<16xf32>
        %mul3A_360 = arith.mulf %gather3A_355, %gather3A_352 : vector<16xf32>
        %add3A_361 = arith.addf %add3A_343, %mul3A_360 : vector<16xf32>
        %mul3A_362 = arith.mulf %gather3A_355, %gather3A_354 : vector<16xf32>
        %add3A_363 = arith.addf %add3A_345, %mul3A_362 : vector<16xf32>
        %mul3A_364 = arith.mulf %gather3A_355, %gather3A_353 : vector<16xf32>
        %add3A_365 = arith.addf %add3A_347, %mul3A_364 : vector<16xf32>
        %mul3A_366 = arith.mulf %gather3A_355, %gather3A_355 : vector<16xf32>
        %add3A_367 = arith.addf %add3A_349, %mul3A_366 : vector<16xf32>
        %broadcast_in_dim3A_368 = arith.constant 18 : i32
        %broadcast_in_dim3A_369 = vector.broadcast %broadcast_in_dim3A_368 : i32 to vector<16xi32>
        %gather3A_370 = tpu.vector_load_idx %arg12[%add3A_44, %broadcast_in_dim3A_369] : memref<128x32xf32, #tpu.memory_space<vmem>>[vector<16xi32>, vector<16xi32>], vector<16xf32>,
        %gather3A_371 = tpu.vector_load_idx %arg13[%add3A_44, %broadcast_in_dim3A_369] : memref<128x32xf32, #tpu.memory_space<vmem>>[vector<16xi32>, vector<16xi32>], vector<16xf32>,
        %gather3A_372 = tpu.vector_load_idx %arg14[%add3A_44, %broadcast_in_dim3A_369] : memref<128x32xf32, #tpu.memory_space<vmem>>[vector<16xi32>, vector<16xi32>], vector<16xf32>,
        %gather3A_373 = tpu.vector_load_idx %arg15[%add3A_44, %broadcast_in_dim3A_369] : memref<128x32xf32, #tpu.memory_space<vmem>>[vector<16xi32>, vector<16xi32>], vector<16xf32>,
        %add3A_374 = arith.addf %gather3A_370, %gather3A_371 : vector<16xf32>
        %sub3A_375 = arith.subf %add3A_374, %gather3A_372 : vector<16xf32>
        %mul3A_376 = arith.mulf %sub3A_375, %sub3A_375 : vector<16xf32>
        %add3A_377 = arith.addf %add3A_359, %mul3A_376 : vector<16xf32>
        %mul3A_378 = arith.mulf %gather3A_373, %gather3A_370 : vector<16xf32>
        %add3A_379 = arith.addf %add3A_361, %mul3A_378 : vector<16xf32>
        %mul3A_380 = arith.mulf %gather3A_373, %gather3A_372 : vector<16xf32>
        %add3A_381 = arith.addf %add3A_363, %mul3A_380 : vector<16xf32>
        %mul3A_382 = arith.mulf %gather3A_373, %gather3A_371 : vector<16xf32>
        %add3A_383 = arith.addf %add3A_365, %mul3A_382 : vector<16xf32>
        %mul3A_384 = arith.mulf %gather3A_373, %gather3A_373 : vector<16xf32>
        %add3A_385 = arith.addf %add3A_367, %mul3A_384 : vector<16xf32>
        %broadcast_in_dim3A_386 = arith.constant 19 : i32
        %broadcast_in_dim3A_387 = vector.broadcast %broadcast_in_dim3A_386 : i32 to vector<16xi32>
        %gather3A_388 = tpu.vector_load_idx %arg12[%add3A_44, %broadcast_in_dim3A_387] : memref<128x32xf32, #tpu.memory_space<vmem>>[vector<16xi32>, vector<16xi32>], vector<16xf32>,
        %gather3A_389 = tpu.vector_load_idx %arg13[%add3A_44, %broadcast_in_dim3A_387] : memref<128x32xf32, #tpu.memory_space<vmem>>[vector<16xi32>, vector<16xi32>], vector<16xf32>,
        %gather3A_390 = tpu.vector_load_idx %arg14[%add3A_44, %broadcast_in_dim3A_387] : memref<128x32xf32, #tpu.memory_space<vmem>>[vector<16xi32>, vector<16xi32>], vector<16xf32>,
        %gather3A_391 = tpu.vector_load_idx %arg15[%add3A_44, %broadcast_in_dim3A_387] : memref<128x32xf32, #tpu.memory_space<vmem>>[vector<16xi32>, vector<16xi32>], vector<16xf32>,
        %add3A_392 = arith.addf %gather3A_388, %gather3A_389 : vector<16xf32>
        %sub3A_393 = arith.subf %add3A_392, %gather3A_390 : vector<16xf32>
        %mul3A_394 = arith.mulf %sub3A_393, %sub3A_393 : vector<16xf32>
        %add3A_395 = arith.addf %add3A_377, %mul3A_394 : vector<16xf32>
        %mul3A_396 = arith.mulf %gather3A_391, %gather3A_388 : vector<16xf32>
        %add3A_397 = arith.addf %add3A_379, %mul3A_396 : vector<16xf32>
        %mul3A_398 = arith.mulf %gather3A_391, %gather3A_390 : vector<16xf32>
        %add3A_399 = arith.addf %add3A_381, %mul3A_398 : vector<16xf32>
        %mul3A_400 = arith.mulf %gather3A_391, %gather3A_389 : vector<16xf32>
        %add3A_401 = arith.addf %add3A_383, %mul3A_400 : vector<16xf32>
        %mul3A_402 = arith.mulf %gather3A_391, %gather3A_391 : vector<16xf32>
        %add3A_403 = arith.addf %add3A_385, %mul3A_402 : vector<16xf32>
        %broadcast_in_dim3A_404 = arith.constant 20 : i32
        %broadcast_in_dim3A_405 = vector.broadcast %broadcast_in_dim3A_404 : i32 to vector<16xi32>
        %gather3A_406 = tpu.vector_load_idx %arg12[%add3A_44, %broadcast_in_dim3A_405] : memref<128x32xf32, #tpu.memory_space<vmem>>[vector<16xi32>, vector<16xi32>], vector<16xf32>,
        %gather3A_407 = tpu.vector_load_idx %arg13[%add3A_44, %broadcast_in_dim3A_405] : memref<128x32xf32, #tpu.memory_space<vmem>>[vector<16xi32>, vector<16xi32>], vector<16xf32>,
        %gather3A_408 = tpu.vector_load_idx %arg14[%add3A_44, %broadcast_in_dim3A_405] : memref<128x32xf32, #tpu.memory_space<vmem>>[vector<16xi32>, vector<16xi32>], vector<16xf32>,
        %gather3A_409 = tpu.vector_load_idx %arg15[%add3A_44, %broadcast_in_dim3A_405] : memref<128x32xf32, #tpu.memory_space<vmem>>[vector<16xi32>, vector<16xi32>], vector<16xf32>,
        %add3A_410 = arith.addf %gather3A_406, %gather3A_407 : vector<16xf32>
        %sub3A_411 = arith.subf %add3A_410, %gather3A_408 : vector<16xf32>
        %mul3A_412 = arith.mulf %sub3A_411, %sub3A_411 : vector<16xf32>
        %add3A_413 = arith.addf %add3A_395, %mul3A_412 : vector<16xf32>
        %mul3A_414 = arith.mulf %gather3A_409, %gather3A_406 : vector<16xf32>
        %add3A_415 = arith.addf %add3A_397, %mul3A_414 : vector<16xf32>
        %mul3A_416 = arith.mulf %gather3A_409, %gather3A_408 : vector<16xf32>
        %add3A_417 = arith.addf %add3A_399, %mul3A_416 : vector<16xf32>
        %mul3A_418 = arith.mulf %gather3A_409, %gather3A_407 : vector<16xf32>
        %add3A_419 = arith.addf %add3A_401, %mul3A_418 : vector<16xf32>
        %mul3A_420 = arith.mulf %gather3A_409, %gather3A_409 : vector<16xf32>
        %add3A_421 = arith.addf %add3A_403, %mul3A_420 : vector<16xf32>
        %broadcast_in_dim3A_422 = arith.constant 21 : i32
        %broadcast_in_dim3A_423 = vector.broadcast %broadcast_in_dim3A_422 : i32 to vector<16xi32>
        %gather3A_424 = tpu.vector_load_idx %arg12[%add3A_44, %broadcast_in_dim3A_423] : memref<128x32xf32, #tpu.memory_space<vmem>>[vector<16xi32>, vector<16xi32>], vector<16xf32>,
        %gather3A_425 = tpu.vector_load_idx %arg13[%add3A_44, %broadcast_in_dim3A_423] : memref<128x32xf32, #tpu.memory_space<vmem>>[vector<16xi32>, vector<16xi32>], vector<16xf32>,
        %gather3A_426 = tpu.vector_load_idx %arg14[%add3A_44, %broadcast_in_dim3A_423] : memref<128x32xf32, #tpu.memory_space<vmem>>[vector<16xi32>, vector<16xi32>], vector<16xf32>,
        %gather3A_427 = tpu.vector_load_idx %arg15[%add3A_44, %broadcast_in_dim3A_423] : memref<128x32xf32, #tpu.memory_space<vmem>>[vector<16xi32>, vector<16xi32>], vector<16xf32>,
        %add3A_428 = arith.addf %gather3A_424, %gather3A_425 : vector<16xf32>
        %sub3A_429 = arith.subf %add3A_428, %gather3A_426 : vector<16xf32>
        %mul3A_430 = arith.mulf %sub3A_429, %sub3A_429 : vector<16xf32>
        %add3A_431 = arith.addf %add3A_413, %mul3A_430 : vector<16xf32>
        %mul3A_432 = arith.mulf %gather3A_427, %gather3A_424 : vector<16xf32>
        %add3A_433 = arith.addf %add3A_415, %mul3A_432 : vector<16xf32>
        %mul3A_434 = arith.mulf %gather3A_427, %gather3A_426 : vector<16xf32>
        %add3A_435 = arith.addf %add3A_417, %mul3A_434 : vector<16xf32>
        %mul3A_436 = arith.mulf %gather3A_427, %gather3A_425 : vector<16xf32>
        %add3A_437 = arith.addf %add3A_419, %mul3A_436 : vector<16xf32>
        %mul3A_438 = arith.mulf %gather3A_427, %gather3A_427 : vector<16xf32>
        %add3A_439 = arith.addf %add3A_421, %mul3A_438 : vector<16xf32>
        %broadcast_in_dim3A_440 = arith.constant 22 : i32
        %broadcast_in_dim3A_441 = vector.broadcast %broadcast_in_dim3A_440 : i32 to vector<16xi32>
        %gather3A_442 = tpu.vector_load_idx %arg12[%add3A_44, %broadcast_in_dim3A_441] : memref<128x32xf32, #tpu.memory_space<vmem>>[vector<16xi32>, vector<16xi32>], vector<16xf32>,
        %gather3A_443 = tpu.vector_load_idx %arg13[%add3A_44, %broadcast_in_dim3A_441] : memref<128x32xf32, #tpu.memory_space<vmem>>[vector<16xi32>, vector<16xi32>], vector<16xf32>,
        %gather3A_444 = tpu.vector_load_idx %arg14[%add3A_44, %broadcast_in_dim3A_441] : memref<128x32xf32, #tpu.memory_space<vmem>>[vector<16xi32>, vector<16xi32>], vector<16xf32>,
        %gather3A_445 = tpu.vector_load_idx %arg15[%add3A_44, %broadcast_in_dim3A_441] : memref<128x32xf32, #tpu.memory_space<vmem>>[vector<16xi32>, vector<16xi32>], vector<16xf32>,
        %add3A_446 = arith.addf %gather3A_442, %gather3A_443 : vector<16xf32>
        %sub3A_447 = arith.subf %add3A_446, %gather3A_444 : vector<16xf32>
        %mul3A_448 = arith.mulf %sub3A_447, %sub3A_447 : vector<16xf32>
        %add3A_449 = arith.addf %add3A_431, %mul3A_448 : vector<16xf32>
        %mul3A_450 = arith.mulf %gather3A_445, %gather3A_442 : vector<16xf32>
        %add3A_451 = arith.addf %add3A_433, %mul3A_450 : vector<16xf32>
        %mul3A_452 = arith.mulf %gather3A_445, %gather3A_444 : vector<16xf32>
        %add3A_453 = arith.addf %add3A_435, %mul3A_452 : vector<16xf32>
        %mul3A_454 = arith.mulf %gather3A_445, %gather3A_443 : vector<16xf32>
        %add3A_455 = arith.addf %add3A_437, %mul3A_454 : vector<16xf32>
        %mul3A_456 = arith.mulf %gather3A_445, %gather3A_445 : vector<16xf32>
        %add3A_457 = arith.addf %add3A_439, %mul3A_456 : vector<16xf32>
        %broadcast_in_dim3A_458 = arith.constant 23 : i32
        %broadcast_in_dim3A_459 = vector.broadcast %broadcast_in_dim3A_458 : i32 to vector<16xi32>
        %gather3A_460 = tpu.vector_load_idx %arg12[%add3A_44, %broadcast_in_dim3A_459] : memref<128x32xf32, #tpu.memory_space<vmem>>[vector<16xi32>, vector<16xi32>], vector<16xf32>,
        %gather3A_461 = tpu.vector_load_idx %arg13[%add3A_44, %broadcast_in_dim3A_459] : memref<128x32xf32, #tpu.memory_space<vmem>>[vector<16xi32>, vector<16xi32>], vector<16xf32>,
        %gather3A_462 = tpu.vector_load_idx %arg14[%add3A_44, %broadcast_in_dim3A_459] : memref<128x32xf32, #tpu.memory_space<vmem>>[vector<16xi32>, vector<16xi32>], vector<16xf32>,
        %gather3A_463 = tpu.vector_load_idx %arg15[%add3A_44, %broadcast_in_dim3A_459] : memref<128x32xf32, #tpu.memory_space<vmem>>[vector<16xi32>, vector<16xi32>], vector<16xf32>,
        %add3A_464 = arith.addf %gather3A_460, %gather3A_461 : vector<16xf32>
        %sub3A_465 = arith.subf %add3A_464, %gather3A_462 : vector<16xf32>
        %mul3A_466 = arith.mulf %sub3A_465, %sub3A_465 : vector<16xf32>
        %add3A_467 = arith.addf %add3A_449, %mul3A_466 : vector<16xf32>
        %mul3A_468 = arith.mulf %gather3A_463, %gather3A_460 : vector<16xf32>
        %add3A_469 = arith.addf %add3A_451, %mul3A_468 : vector<16xf32>
        %mul3A_470 = arith.mulf %gather3A_463, %gather3A_462 : vector<16xf32>
        %add3A_471 = arith.addf %add3A_453, %mul3A_470 : vector<16xf32>
        %mul3A_472 = arith.mulf %gather3A_463, %gather3A_461 : vector<16xf32>
        %add3A_473 = arith.addf %add3A_455, %mul3A_472 : vector<16xf32>
        %mul3A_474 = arith.mulf %gather3A_463, %gather3A_463 : vector<16xf32>
        %add3A_475 = arith.addf %add3A_457, %mul3A_474 : vector<16xf32>
        %broadcast_in_dim3A_476 = arith.constant 24 : i32
        %broadcast_in_dim3A_477 = vector.broadcast %broadcast_in_dim3A_476 : i32 to vector<16xi32>
        %gather3A_478 = tpu.vector_load_idx %arg12[%add3A_44, %broadcast_in_dim3A_477] : memref<128x32xf32, #tpu.memory_space<vmem>>[vector<16xi32>, vector<16xi32>], vector<16xf32>,
        %gather3A_479 = tpu.vector_load_idx %arg13[%add3A_44, %broadcast_in_dim3A_477] : memref<128x32xf32, #tpu.memory_space<vmem>>[vector<16xi32>, vector<16xi32>], vector<16xf32>,
        %gather3A_480 = tpu.vector_load_idx %arg14[%add3A_44, %broadcast_in_dim3A_477] : memref<128x32xf32, #tpu.memory_space<vmem>>[vector<16xi32>, vector<16xi32>], vector<16xf32>,
        %gather3A_481 = tpu.vector_load_idx %arg15[%add3A_44, %broadcast_in_dim3A_477] : memref<128x32xf32, #tpu.memory_space<vmem>>[vector<16xi32>, vector<16xi32>], vector<16xf32>,
        %add3A_482 = arith.addf %gather3A_478, %gather3A_479 : vector<16xf32>
        %sub3A_483 = arith.subf %add3A_482, %gather3A_480 : vector<16xf32>
        %mul3A_484 = arith.mulf %sub3A_483, %sub3A_483 : vector<16xf32>
        %add3A_485 = arith.addf %add3A_467, %mul3A_484 : vector<16xf32>
        %mul3A_486 = arith.mulf %gather3A_481, %gather3A_478 : vector<16xf32>
        %add3A_487 = arith.addf %add3A_469, %mul3A_486 : vector<16xf32>
        %mul3A_488 = arith.mulf %gather3A_481, %gather3A_480 : vector<16xf32>
        %add3A_489 = arith.addf %add3A_471, %mul3A_488 : vector<16xf32>
        %mul3A_490 = arith.mulf %gather3A_481, %gather3A_479 : vector<16xf32>
        %add3A_491 = arith.addf %add3A_473, %mul3A_490 : vector<16xf32>
        %mul3A_492 = arith.mulf %gather3A_481, %gather3A_481 : vector<16xf32>
        %add3A_493 = arith.addf %add3A_475, %mul3A_492 : vector<16xf32>
        %broadcast_in_dim3A_494 = arith.constant 25 : i32
        %broadcast_in_dim3A_495 = vector.broadcast %broadcast_in_dim3A_494 : i32 to vector<16xi32>
        %gather3A_496 = tpu.vector_load_idx %arg12[%add3A_44, %broadcast_in_dim3A_495] : memref<128x32xf32, #tpu.memory_space<vmem>>[vector<16xi32>, vector<16xi32>], vector<16xf32>,
        %gather3A_497 = tpu.vector_load_idx %arg13[%add3A_44, %broadcast_in_dim3A_495] : memref<128x32xf32, #tpu.memory_space<vmem>>[vector<16xi32>, vector<16xi32>], vector<16xf32>,
        %gather3A_498 = tpu.vector_load_idx %arg14[%add3A_44, %broadcast_in_dim3A_495] : memref<128x32xf32, #tpu.memory_space<vmem>>[vector<16xi32>, vector<16xi32>], vector<16xf32>,
        %gather3A_499 = tpu.vector_load_idx %arg15[%add3A_44, %broadcast_in_dim3A_495] : memref<128x32xf32, #tpu.memory_space<vmem>>[vector<16xi32>, vector<16xi32>], vector<16xf32>,
        %add3A_500 = arith.addf %gather3A_496, %gather3A_497 : vector<16xf32>
        %sub3A_501 = arith.subf %add3A_500, %gather3A_498 : vector<16xf32>
        %mul3A_502 = arith.mulf %sub3A_501, %sub3A_501 : vector<16xf32>
        %add3A_503 = arith.addf %add3A_485, %mul3A_502 : vector<16xf32>
        %mul3A_504 = arith.mulf %gather3A_499, %gather3A_496 : vector<16xf32>
        %add3A_505 = arith.addf %add3A_487, %mul3A_504 : vector<16xf32>
        %mul3A_506 = arith.mulf %gather3A_499, %gather3A_498 : vector<16xf32>
        %add3A_507 = arith.addf %add3A_489, %mul3A_506 : vector<16xf32>
        %mul3A_508 = arith.mulf %gather3A_499, %gather3A_497 : vector<16xf32>
        %add3A_509 = arith.addf %add3A_491, %mul3A_508 : vector<16xf32>
        %mul3A_510 = arith.mulf %gather3A_499, %gather3A_499 : vector<16xf32>
        %add3A_511 = arith.addf %add3A_493, %mul3A_510 : vector<16xf32>
        %broadcast_in_dim3A_512 = arith.constant 26 : i32
        %broadcast_in_dim3A_513 = vector.broadcast %broadcast_in_dim3A_512 : i32 to vector<16xi32>
        %gather3A_514 = tpu.vector_load_idx %arg12[%add3A_44, %broadcast_in_dim3A_513] : memref<128x32xf32, #tpu.memory_space<vmem>>[vector<16xi32>, vector<16xi32>], vector<16xf32>,
        %gather3A_515 = tpu.vector_load_idx %arg13[%add3A_44, %broadcast_in_dim3A_513] : memref<128x32xf32, #tpu.memory_space<vmem>>[vector<16xi32>, vector<16xi32>], vector<16xf32>,
        %gather3A_516 = tpu.vector_load_idx %arg14[%add3A_44, %broadcast_in_dim3A_513] : memref<128x32xf32, #tpu.memory_space<vmem>>[vector<16xi32>, vector<16xi32>], vector<16xf32>,
        %gather3A_517 = tpu.vector_load_idx %arg15[%add3A_44, %broadcast_in_dim3A_513] : memref<128x32xf32, #tpu.memory_space<vmem>>[vector<16xi32>, vector<16xi32>], vector<16xf32>,
        %add3A_518 = arith.addf %gather3A_514, %gather3A_515 : vector<16xf32>
        %sub3A_519 = arith.subf %add3A_518, %gather3A_516 : vector<16xf32>
        %mul3A_520 = arith.mulf %sub3A_519, %sub3A_519 : vector<16xf32>
        %add3A_521 = arith.addf %add3A_503, %mul3A_520 : vector<16xf32>
        %mul3A_522 = arith.mulf %gather3A_517, %gather3A_514 : vector<16xf32>
        %add3A_523 = arith.addf %add3A_505, %mul3A_522 : vector<16xf32>
        %mul3A_524 = arith.mulf %gather3A_517, %gather3A_516 : vector<16xf32>
        %add3A_525 = arith.addf %add3A_507, %mul3A_524 : vector<16xf32>
        %mul3A_526 = arith.mulf %gather3A_517, %gather3A_515 : vector<16xf32>
        %add3A_527 = arith.addf %add3A_509, %mul3A_526 : vector<16xf32>
        %mul3A_528 = arith.mulf %gather3A_517, %gather3A_517 : vector<16xf32>
        %add3A_529 = arith.addf %add3A_511, %mul3A_528 : vector<16xf32>
        %broadcast_in_dim3A_530 = arith.constant 27 : i32
        %broadcast_in_dim3A_531 = vector.broadcast %broadcast_in_dim3A_530 : i32 to vector<16xi32>
        %gather3A_532 = tpu.vector_load_idx %arg12[%add3A_44, %broadcast_in_dim3A_531] : memref<128x32xf32, #tpu.memory_space<vmem>>[vector<16xi32>, vector<16xi32>], vector<16xf32>,
        %gather3A_533 = tpu.vector_load_idx %arg13[%add3A_44, %broadcast_in_dim3A_531] : memref<128x32xf32, #tpu.memory_space<vmem>>[vector<16xi32>, vector<16xi32>], vector<16xf32>,
        %gather3A_534 = tpu.vector_load_idx %arg14[%add3A_44, %broadcast_in_dim3A_531] : memref<128x32xf32, #tpu.memory_space<vmem>>[vector<16xi32>, vector<16xi32>], vector<16xf32>,
        %gather3A_535 = tpu.vector_load_idx %arg15[%add3A_44, %broadcast_in_dim3A_531] : memref<128x32xf32, #tpu.memory_space<vmem>>[vector<16xi32>, vector<16xi32>], vector<16xf32>,
        %add3A_536 = arith.addf %gather3A_532, %gather3A_533 : vector<16xf32>
        %sub3A_537 = arith.subf %add3A_536, %gather3A_534 : vector<16xf32>
        %mul3A_538 = arith.mulf %sub3A_537, %sub3A_537 : vector<16xf32>
        %add3A_539 = arith.addf %add3A_521, %mul3A_538 : vector<16xf32>
        %mul3A_540 = arith.mulf %gather3A_535, %gather3A_532 : vector<16xf32>
        %add3A_541 = arith.addf %add3A_523, %mul3A_540 : vector<16xf32>
        %mul3A_542 = arith.mulf %gather3A_535, %gather3A_534 : vector<16xf32>
        %add3A_543 = arith.addf %add3A_525, %mul3A_542 : vector<16xf32>
        %mul3A_544 = arith.mulf %gather3A_535, %gather3A_533 : vector<16xf32>
        %add3A_545 = arith.addf %add3A_527, %mul3A_544 : vector<16xf32>
        %mul3A_546 = arith.mulf %gather3A_535, %gather3A_535 : vector<16xf32>
        %add3A_547 = arith.addf %add3A_529, %mul3A_546 : vector<16xf32>
        %broadcast_in_dim3A_548 = arith.constant 28 : i32
        %broadcast_in_dim3A_549 = vector.broadcast %broadcast_in_dim3A_548 : i32 to vector<16xi32>
        %gather3A_550 = tpu.vector_load_idx %arg12[%add3A_44, %broadcast_in_dim3A_549] : memref<128x32xf32, #tpu.memory_space<vmem>>[vector<16xi32>, vector<16xi32>], vector<16xf32>,
        %gather3A_551 = tpu.vector_load_idx %arg13[%add3A_44, %broadcast_in_dim3A_549] : memref<128x32xf32, #tpu.memory_space<vmem>>[vector<16xi32>, vector<16xi32>], vector<16xf32>,
        %gather3A_552 = tpu.vector_load_idx %arg14[%add3A_44, %broadcast_in_dim3A_549] : memref<128x32xf32, #tpu.memory_space<vmem>>[vector<16xi32>, vector<16xi32>], vector<16xf32>,
        %gather3A_553 = tpu.vector_load_idx %arg15[%add3A_44, %broadcast_in_dim3A_549] : memref<128x32xf32, #tpu.memory_space<vmem>>[vector<16xi32>, vector<16xi32>], vector<16xf32>,
        %add3A_554 = arith.addf %gather3A_550, %gather3A_551 : vector<16xf32>
        %sub3A_555 = arith.subf %add3A_554, %gather3A_552 : vector<16xf32>
        %mul3A_556 = arith.mulf %sub3A_555, %sub3A_555 : vector<16xf32>
        %add3A_557 = arith.addf %add3A_539, %mul3A_556 : vector<16xf32>
        %mul3A_558 = arith.mulf %gather3A_553, %gather3A_550 : vector<16xf32>
        %add3A_559 = arith.addf %add3A_541, %mul3A_558 : vector<16xf32>
        %mul3A_560 = arith.mulf %gather3A_553, %gather3A_552 : vector<16xf32>
        %add3A_561 = arith.addf %add3A_543, %mul3A_560 : vector<16xf32>
        %mul3A_562 = arith.mulf %gather3A_553, %gather3A_551 : vector<16xf32>
        %add3A_563 = arith.addf %add3A_545, %mul3A_562 : vector<16xf32>
        %mul3A_564 = arith.mulf %gather3A_553, %gather3A_553 : vector<16xf32>
        %add3A_565 = arith.addf %add3A_547, %mul3A_564 : vector<16xf32>
        %broadcast_in_dim3A_566 = arith.constant 29 : i32
        %broadcast_in_dim3A_567 = vector.broadcast %broadcast_in_dim3A_566 : i32 to vector<16xi32>
        %gather3A_568 = tpu.vector_load_idx %arg12[%add3A_44, %broadcast_in_dim3A_567] : memref<128x32xf32, #tpu.memory_space<vmem>>[vector<16xi32>, vector<16xi32>], vector<16xf32>,
        %gather3A_569 = tpu.vector_load_idx %arg13[%add3A_44, %broadcast_in_dim3A_567] : memref<128x32xf32, #tpu.memory_space<vmem>>[vector<16xi32>, vector<16xi32>], vector<16xf32>,
        %gather3A_570 = tpu.vector_load_idx %arg14[%add3A_44, %broadcast_in_dim3A_567] : memref<128x32xf32, #tpu.memory_space<vmem>>[vector<16xi32>, vector<16xi32>], vector<16xf32>,
        %gather3A_571 = tpu.vector_load_idx %arg15[%add3A_44, %broadcast_in_dim3A_567] : memref<128x32xf32, #tpu.memory_space<vmem>>[vector<16xi32>, vector<16xi32>], vector<16xf32>,
        %add3A_572 = arith.addf %gather3A_568, %gather3A_569 : vector<16xf32>
        %sub3A_573 = arith.subf %add3A_572, %gather3A_570 : vector<16xf32>
        %mul3A_574 = arith.mulf %sub3A_573, %sub3A_573 : vector<16xf32>
        %add3A_575 = arith.addf %add3A_557, %mul3A_574 : vector<16xf32>
        %mul3A_576 = arith.mulf %gather3A_571, %gather3A_568 : vector<16xf32>
        %add3A_577 = arith.addf %add3A_559, %mul3A_576 : vector<16xf32>
        %mul3A_578 = arith.mulf %gather3A_571, %gather3A_570 : vector<16xf32>
        %add3A_579 = arith.addf %add3A_561, %mul3A_578 : vector<16xf32>
        %mul3A_580 = arith.mulf %gather3A_571, %gather3A_569 : vector<16xf32>
        %add3A_581 = arith.addf %add3A_563, %mul3A_580 : vector<16xf32>
        %mul3A_582 = arith.mulf %gather3A_571, %gather3A_571 : vector<16xf32>
        %add3A_583 = arith.addf %add3A_565, %mul3A_582 : vector<16xf32>
        %broadcast_in_dim3A_584 = arith.constant 30 : i32
        %broadcast_in_dim3A_585 = vector.broadcast %broadcast_in_dim3A_584 : i32 to vector<16xi32>
        %gather3A_586 = tpu.vector_load_idx %arg12[%add3A_44, %broadcast_in_dim3A_585] : memref<128x32xf32, #tpu.memory_space<vmem>>[vector<16xi32>, vector<16xi32>], vector<16xf32>,
        %gather3A_587 = tpu.vector_load_idx %arg13[%add3A_44, %broadcast_in_dim3A_585] : memref<128x32xf32, #tpu.memory_space<vmem>>[vector<16xi32>, vector<16xi32>], vector<16xf32>,
        %gather3A_588 = tpu.vector_load_idx %arg14[%add3A_44, %broadcast_in_dim3A_585] : memref<128x32xf32, #tpu.memory_space<vmem>>[vector<16xi32>, vector<16xi32>], vector<16xf32>,
        %gather3A_589 = tpu.vector_load_idx %arg15[%add3A_44, %broadcast_in_dim3A_585] : memref<128x32xf32, #tpu.memory_space<vmem>>[vector<16xi32>, vector<16xi32>], vector<16xf32>,
        %add3A_590 = arith.addf %gather3A_586, %gather3A_587 : vector<16xf32>
        %sub3A_591 = arith.subf %add3A_590, %gather3A_588 : vector<16xf32>
        %mul3A_592 = arith.mulf %sub3A_591, %sub3A_591 : vector<16xf32>
        %add3A_593 = arith.addf %add3A_575, %mul3A_592 : vector<16xf32>
        %mul3A_594 = arith.mulf %gather3A_589, %gather3A_586 : vector<16xf32>
        %add3A_595 = arith.addf %add3A_577, %mul3A_594 : vector<16xf32>
        %mul3A_596 = arith.mulf %gather3A_589, %gather3A_588 : vector<16xf32>
        %add3A_597 = arith.addf %add3A_579, %mul3A_596 : vector<16xf32>
        %mul3A_598 = arith.mulf %gather3A_589, %gather3A_587 : vector<16xf32>
        %add3A_599 = arith.addf %add3A_581, %mul3A_598 : vector<16xf32>
        %mul3A_600 = arith.mulf %gather3A_589, %gather3A_589 : vector<16xf32>
        %add3A_601 = arith.addf %add3A_583, %mul3A_600 : vector<16xf32>
        %broadcast_in_dim3A_602 = arith.constant 31 : i32
        %broadcast_in_dim3A_603 = vector.broadcast %broadcast_in_dim3A_602 : i32 to vector<16xi32>
        %gather3A_604 = tpu.vector_load_idx %arg12[%add3A_44, %broadcast_in_dim3A_603] : memref<128x32xf32, #tpu.memory_space<vmem>>[vector<16xi32>, vector<16xi32>], vector<16xf32>,
        %gather3A_605 = tpu.vector_load_idx %arg13[%add3A_44, %broadcast_in_dim3A_603] : memref<128x32xf32, #tpu.memory_space<vmem>>[vector<16xi32>, vector<16xi32>], vector<16xf32>,
        %gather3A_606 = tpu.vector_load_idx %arg14[%add3A_44, %broadcast_in_dim3A_603] : memref<128x32xf32, #tpu.memory_space<vmem>>[vector<16xi32>, vector<16xi32>], vector<16xf32>,
        %gather3A_607 = tpu.vector_load_idx %arg15[%add3A_44, %broadcast_in_dim3A_603] : memref<128x32xf32, #tpu.memory_space<vmem>>[vector<16xi32>, vector<16xi32>], vector<16xf32>,
        %add3A_608 = arith.addf %gather3A_604, %gather3A_605 : vector<16xf32>
        %sub3A_609 = arith.subf %add3A_608, %gather3A_606 : vector<16xf32>
        %mul3A_610 = arith.mulf %sub3A_609, %sub3A_609 : vector<16xf32>
        %add3A_611 = arith.addf %add3A_593, %mul3A_610 : vector<16xf32>
        %mul3A_612 = arith.mulf %gather3A_607, %gather3A_604 : vector<16xf32>
        %add3A_613 = arith.addf %add3A_595, %mul3A_612 : vector<16xf32>
        %mul3A_614 = arith.mulf %gather3A_607, %gather3A_606 : vector<16xf32>
        %add3A_615 = arith.addf %add3A_597, %mul3A_614 : vector<16xf32>
        %mul3A_616 = arith.mulf %gather3A_607, %gather3A_605 : vector<16xf32>
        %add3A_617 = arith.addf %add3A_599, %mul3A_616 : vector<16xf32>
        %mul3A_618 = arith.mulf %gather3A_607, %gather3A_607 : vector<16xf32>
        %add3A_619 = arith.addf %add3A_601, %mul3A_618 : vector<16xf32>
        %sub3A_620 = arith.subf %add3A_613, %add3A_615 : vector<16xf32>
        %add3A_621 = arith.addf %sub3A_620, %add3A_617 : vector<16xf32>
        %mul3A_622 = arith.constant 2.000000e+00 : f32
        %mul3A_623 = vector.broadcast %mul3A_622 : f32 to vector<16xf32>
        %mul3A_624 = arith.mulf %mul3A_623, %sub3A_620 : vector<16xf32>
        %mul3A_625 = arith.mulf %mul3A_624, %add3A_621 : vector<16xf32>
        %sub3A_626 = arith.subf %add3A_611, %mul3A_625 : vector<16xf32>
        %mul3A_627 = arith.mulf %sub3A_620, %sub3A_620 : vector<16xf32>
        %mul3A_628 = arith.mulf %mul3A_627, %add3A_619 : vector<16xf32>
        %add3A_629 = arith.addf %sub3A_626, %mul3A_628 : vector<16xf32>
        %max3A = arith.constant 1.000000e-30 : f32
        %max3A_630 = vector.broadcast %max3A : f32 to vector<16xf32>
        %max3A_631 = arith.maximumf %add3A_629, %max3A_630 : vector<16xf32>
        %bitcast3A = vector.bitcast %max3A_631 : vector<16xf32> to vector<16xi32>
        %shift_right_arithmetic3A = arith.constant 1 : i32
        %shift_right_arithmetic3A_632 = vector.broadcast %shift_right_arithmetic3A : i32 to vector<16xi32>
        %shift_right_arithmetic3A_633 = arith.shrsi %bitcast3A, %shift_right_arithmetic3A_632 : vector<16xi32>
        %sub3A_634 = arith.constant 1597463007 : i32
        %sub3A_635 = vector.broadcast %sub3A_634 : i32 to vector<16xi32>
        %sub3A_636 = arith.subi %sub3A_635, %shift_right_arithmetic3A_633 : vector<16xi32>
        %bitcast3A_637 = vector.bitcast %sub3A_636 : vector<16xi32> to vector<16xf32>
        %mul3A_638 = arith.constant 5.000000e-01 : f32
        %mul3A_639 = vector.broadcast %mul3A_638 : f32 to vector<16xf32>
        %mul3A_640 = arith.mulf %mul3A_639, %max3A_631 : vector<16xf32>
        %mul3A_641 = arith.mulf %mul3A_640, %bitcast3A_637 : vector<16xf32>
        %mul3A_642 = arith.mulf %mul3A_641, %bitcast3A_637 : vector<16xf32>
        %sub3A_643 = arith.constant 1.500000e+00 : f32
        %sub3A_644 = vector.broadcast %sub3A_643 : f32 to vector<16xf32>
        %sub3A_645 = arith.subf %sub3A_644, %mul3A_642 : vector<16xf32>
        %mul3A_646 = arith.mulf %bitcast3A_637, %sub3A_645 : vector<16xf32>
        %mul3A_647 = arith.constant 5.000000e-01 : f32
        %mul3A_648 = vector.broadcast %mul3A_647 : f32 to vector<16xf32>
        %mul3A_649 = arith.mulf %mul3A_648, %max3A_631 : vector<16xf32>
        %mul3A_650 = arith.mulf %mul3A_649, %mul3A_646 : vector<16xf32>
        %mul3A_651 = arith.mulf %mul3A_650, %mul3A_646 : vector<16xf32>
        %sub3A_652 = arith.constant 1.500000e+00 : f32
        %sub3A_653 = vector.broadcast %sub3A_652 : f32 to vector<16xf32>
        %sub3A_654 = arith.subf %sub3A_653, %mul3A_651 : vector<16xf32>
        %mul3A_655 = arith.mulf %mul3A_646, %sub3A_654 : vector<16xf32>
        %mul3A_656 = arith.constant 5.000000e-01 : f32
        %mul3A_657 = vector.broadcast %mul3A_656 : f32 to vector<16xf32>
        %mul3A_658 = arith.mulf %mul3A_657, %max3A_631 : vector<16xf32>
        %mul3A_659 = arith.mulf %mul3A_658, %mul3A_655 : vector<16xf32>
        %mul3A_660 = arith.mulf %mul3A_659, %mul3A_655 : vector<16xf32>
        %sub3A_661 = arith.constant 1.500000e+00 : f32
        %sub3A_662 = vector.broadcast %sub3A_661 : f32 to vector<16xf32>
        %sub3A_663 = arith.subf %sub3A_662, %mul3A_660 : vector<16xf32>
        %mul3A_664 = arith.mulf %mul3A_655, %sub3A_663 : vector<16xf32>
        %mul3A_665 = arith.mulf %max3A_631, %mul3A_664 : vector<16xf32>
        %mul3A_666 = arith.constant 16 : i32
        %mul3A_667 = arith.muli %scan3A_40, %mul3A_666 : i32
        %swap3A = arith.index_cast %mul3A_667 : i32 to index
        %swap3A_668 = tpu.vector_load %arg16[%swap3A] {strides = array<i32>} : memref<128xf32, #tpu.memory_space<vmem>>, vector<16xf32>,
        tpu.vector_store %arg16[%swap3A], %mul3A_665 {strides = array<i32>} : memref<128xf32, #tpu.memory_space<vmem>>, vector<16xf32>,
      }
      %scan3A_39 = arith.constant 8 : i32
      "tpu.region"() ({
        %run_scoped3A = tpu.sem_alloc : memref<!tpu.dma_semaphore, #tpu.memory_space<semaphore_mem>>
        %dma_start3A_40 = tpu.memref_slice %arg8[%mul3A_11] : memref<32768xf32, #tpu.memory_space<hbm>> -> memref<128xf32, #tpu.memory_space<hbm>>
        %dma_start3A_41 = tpu.memref_slice %arg8[%mul3A_11] : memref<32768xf32, #tpu.memory_space<hbm>> -> memref<128xf32, #tpu.memory_space<hbm>>
        tpu.enqueue_dma source(%arg16 : memref<128xf32, #tpu.memory_space<vmem>>) target(%dma_start3A_41 : memref<128xf32, #tpu.memory_space<hbm>>) target_semaphore(%run_scoped3A : memref<!tpu.dma_semaphore, #tpu.memory_space<semaphore_mem>>)
        %dma_wait3A_42 = tpu.memref_slice %arg8[%mul3A_11] : memref<32768xf32, #tpu.memory_space<hbm>> -> memref<128xf32, #tpu.memory_space<hbm>>
        %dma_wait3A_43 = tpu.memref_slice %arg8[%mul3A_11] : memref<32768xf32, #tpu.memory_space<hbm>> -> memref<128xf32, #tpu.memory_space<hbm>>
        tpu.wait_dma2 semaphore(%run_scoped3A : memref<!tpu.dma_semaphore, #tpu.memory_space<semaphore_mem>>) src(%arg16 : memref<128xf32, #tpu.memory_space<vmem>>) dst(%dma_wait3A_43 : memref<128xf32, #tpu.memory_space<hbm>>)
        tpu.yield
      }) : () -> ()
    }
    %scan3A_5 = arith.constant 8 : i32
    return
  }
}

</mosaic_0001>

<sc_bundles>
// kernel: transh_score_sc.3.cloned.1.call-start
scs
__scs_entry_jumppad:
0x0: {  	(pc) =	sbr.rel $0x88, $3  }
0x1: {  	(tag) =	ssettag $0x0;
	lr =	simm.s32 $0x1  }
0x2: {  	[smem:$0x3F9C] =	sst lr;
	_ =	strace $0xD0000000  }
0x3: {  	_ = 	snop  }
0x4: {  	_ = 	snop  }
0x5: {  	_ = 	snop  }
0x6: {  	_ = 	snop  }
0x7: {  	_ = 	snop  }
__scs_overlays_trampoline_lowered:
0x8: {  	[smem:$0x3FAB] =	sst s0  }
0x9: {  	[smem:$0x3FAC] =	sst s1  }
0xa: {  	[smem:$0x3FAD] =	sst s2  }
0xb: {  	[smem:$0x3FAE] =	sst s3  }
0xc: {  	[smem:$0x3FAF] =	sst s4  }
0xd: {  	[smem:$0x3FB0] =	sst s5  }
0xe: {  	[smem:$0x3FB1] =	sst s6  }
0xf: {  	[smem:$0x3FB2] =	sst s7  }
0x10: {  	[smem:$0x3FB3] =	sst s8  }
0x11: {  	[smem:$0x3FB4] =	sst s9;
	s0 =	simm.s32 @!p0 $0x0  }
0x12: {  	s1 =	sld [smem:$0x3F9A];
	s0 =	simm.s32 @p0 $0x1  }
0x13: {  	[smem:$0x3FB5] =	sst s0;
	s0 =	simm.s32 @!p1 $0x0  }
0x14: {  	s2 =	sld [smem:$0x3F99];
	s0 =	simm.s32 @p1 $0x1  }
0x15: {  	[smem:$0x3FB6] =	sst s0;
	s0 =	simm.s32 @!p2 $0x0  }
0x16: {  	s3 =	sld [smem:$0x3FDB];
	s0 =	simm.s32 @p2 $0x1  }
0x17: {  	s4 =	simm.s32 $0x1BF5;
	[smem:$0x3FB8] =	sst s0  }
0x18: {  	s0 =	sld [smem:$0x3F9B];
	_ =	swait.ge [sflag:s4], $0x0  }
0x19: {  	s7 =	sld [smem:$0x3F9C]  }
0x1a: {  	s8 =	sadd.s32 $0xFFFFE003, lr  }
0x1b: {  	s9 =	sadd.s32 $0xFFFFFEF7, lr;
	s5 =	simm.s32 $0xFFFFFFFF;
	p2 =	slt.u32 s8, $0xFFFFF086  }
0x1c: {  	p1 =	slt.u32 s9, $0xF7A;
	s5 =	simm.s32 @!p2 $0x0  }
0x1d: {  	s5 =	simm.s32 @p1 $0x1;
	p0 =	seq.s32 s7, s2  }
0x1e: {  	s7 =	smul.u32 @!p0 $0xF7A, s2;
	p2 =	seq.s32 @!p0 s5, $0x0  }
0x1f: {  	s9 =	smul.u32 $0xF7A, s1;
	s8 =	simm.s32 @!p0 $0x1BF5;
	p2 =	por !p2, p0  }
0x20: {  	[sflag:s8] =	ssyncset.s32 @!p0 $0xFFFFF086;
	s6 =	sadd.s32 @!p0 s3, s7;
	s7 =	simm.s32 @!p0 $0x108  }
0x21: {  	s3 =	sadd.s32 s3, s9;
	s6 =	sadd.s32 @!p0 $0x88, s6;
	s7 =	simm.s32 @p2 $0x1082  }
0x22: {  	[simem:s7], [sflag:s8] =	dma.local @!p0 [hbm:s6], $0xF7A  }
0x23: {  	s9 =	sor.u32 $0xD0000000, s2;
	s6 =	simm.s32 $0x108;
	_ =	swait.ge @!p0 [sflag:s8], $0x0  }
0x24: {  	s3 =	sadd.s32 $0x88, s3;
	s6 =	simm.s32 @!p1 $0x1082;
	[sflag:s4] =	ssyncset.s32 $0xFFFFF086  }
0x25: {  	[simem:s6], [sflag:s4] =	dma.local [hbm:s3], $0xF7A  }
0x26: {  	[smem:$0x3F9C] =	sst s1;
	(tag) =	ssettag s2;
	_ =	strace s9  }
0x27: {  	s1 =	sld [smem:$0x3FAC]  }
0x28: {  	s2 =	sld [smem:$0x3FAD]  }
0x29: {  	s4 =	sld [smem:$0x3FAF]  }
0x2a: {  	p0 =	seq.s32 s5, $0x0;
	s5 =	sld [smem:$0x3FB0]  }
0x2b: {  	s6 =	sld [smem:$0x3FB1]  }
0x2c: {  	s7 =	sld [smem:$0x3FB2]  }
0x2d: {  	s3 =	simm.s32 $0x108;
	s8 =	sld [smem:$0x3FB3]  }
0x2e: {  	s3 =	simm.s32 @!p0 $0x1082;
	s9 =	sld [smem:$0x3FB4]  }
0x2f: {  	lr =	sadd.s32 s0, s3;
	s0 =	sld [smem:$0x3FAB]  }
0x30: {  	s3 =	sld [smem:$0x3FAE]  }
0x31: {  	[smem:$0x3FB7] =	sst s10  }
0x32: {  	s10 =	sld [smem:$0x3FB5];
	_ =	sdelay $0x3  }
0x33: {  	p0 =	seq.s32 s10, $0x1;
	s10 =	sld [smem:$0x3FB7];
	_ =	sdelay $0x3  }
0x34: {  	[smem:$0x3FB7] =	sst s10  }
0x35: {  	s10 =	sld [smem:$0x3FB6];
	_ =	sdelay $0x3  }
0x36: {  	p1 =	seq.s32 s10, $0x1;
	s10 =	sld [smem:$0x3FB7];
	_ =	sdelay $0x3  }
0x37: {  	[smem:$0x3FB7] =	sst s10  }
0x38: {  	s10 =	sld [smem:$0x3FB8]  }
0x39: {  	_ = 	snop;
	(pc) =	sbr.ind lr, $3  }
0x3a: {  	_ = 	snop  }
0x3b: {  	_ = 	snop  }
0x3c: {  	p2 =	seq.s32 s10, $0x1;
	s10 =	sld [smem:$0x3FB7]  }
0x3d: {  	_ =	shalt  }
0x3e: {  	_ =	shalt  }
0x3f: {  	_ =	shalt  }
0x40: {  	_ =	shalt  }
0x41: {  	_ =	shalt  }
0x42: {  	_ =	shalt  }
0x43: {  	_ =	shalt  }
0x44: {  	_ =	shalt  }
0x45: {  	_ =	shalt  }
0x46: {  	_ =	shalt  }
0x47: {  	_ =	shalt  }
0x48: {  	_ =	shalt  }
0x49: {  	_ =	shalt  }
0x4a: {  	_ =	shalt  }
0x4b: {  	_ =	shalt  }
0x4c: {  	_ =	shalt  }
0x4d: {  	_ =	shalt  }
0x4e: {  	_ =	shalt  }
0x4f: {  	_ =	shalt  }
0x50: {  	_ =	shalt  }
0x51: {  	_ =	shalt  }
0x52: {  	_ =	shalt  }
0x53: {  	_ =	shalt  }
0x54: {  	_ =	shalt  }
0x55: {  	_ =	shalt  }
0x56: {  	_ =	shalt  }
0x57: {  	_ =	shalt  }
0x58: {  	_ =	shalt  }
0x59: {  	_ =	shalt  }
0x5a: {  	_ =	shalt  }
0x5b: {  	_ =	shalt  }
0x5c: {  	_ =	shalt  }
0x5d: {  	_ =	shalt  }
0x5e: {  	_ =	shalt  }
0x5f: {  	_ =	shalt  }
0x60: {  	_ =	shalt  }
0x61: {  	_ =	shalt  }
0x62: {  	_ =	shalt  }
0x63: {  	_ =	shalt  }
0x64: {  	_ =	shalt  }
0x65: {  	_ =	shalt  }
0x66: {  	_ =	shalt  }
0x67: {  	_ =	shalt  }
0x68: {  	_ =	shalt  }
0x69: {  	_ =	shalt  }
0x6a: {  	_ =	shalt  }
0x6b: {  	_ =	shalt  }
0x6c: {  	_ =	shalt  }
0x6d: {  	_ =	shalt  }
0x6e: {  	_ =	shalt  }
0x6f: {  	_ =	shalt  }
0x70: {  	_ =	shalt  }
0x71: {  	_ =	shalt  }
0x72: {  	_ =	shalt  }
0x73: {  	_ =	shalt  }
0x74: {  	_ =	shalt  }
0x75: {  	_ =	shalt  }
0x76: {  	_ =	shalt  }
0x77: {  	_ =	shalt  }
0x78: {  	_ =	shalt  }
0x79: {  	_ =	shalt  }
0x7a: {  	_ =	shalt  }
0x7b: {  	_ =	shalt  }
0x7c: {  	_ =	shalt  }
0x7d: {  	_ =	shalt  }
0x7e: {  	_ =	shalt  }
0x7f: {  	_ =	shalt  }
0x80: {  	_ =	shalt  }
0x81: {  	_ =	shalt  }
0x82: {  	_ =	shalt  }
0x83: {  	_ =	shalt  }
0x84: {  	_ =	shalt  }
0x85: {  	_ =	shalt  }
0x86: {  	_ =	shalt  }
0x87: {  	_ =	shalt  }
.Lfunc_end0:
.L_simem_size_0:
called_computation_lowered:
.L_overlay_start_0:
0x88: {  	s2 =	sld [smem:$0x3FD9]  }
0x89: {  	s3 =	sld [smem:$0x3FFE];
	_ =	sdelay $0x1  }
0x8a: {  	s1 =	srdreg.scid  }
0x8b: {  	s0 =	sand.u32 $0x1, s1  }
0x8c: {  	s14 =	sshll.u32 s0, $0xA;
	s2 =	sadd.s32 s3, s2  }
0x8d: {  	s2 =	sadd.s32 s2, s14  }
0x8e: {  	[smem:$0x3FC3] =	sst s2  }
0x8f: {  	_ = 	snop  }
0x90: {  	s2 =	sld [smem:$0x3FD0];
	_ =	sdelay $0x2  }
0x91: {  	s15 =	simm.s32 $0xA;
	s4 =	simm.s32 $0x10  }
0x92: {  	[smem:s4], [sflag:s15] =	dma.local [hbm:s2], $0x1  }
0x93: {  	_ =	swait.eq [sflag:s15], $0x1  }
0x94: {  	s16 =	sld [smem:$0x12];
	[sflag:s15] =	ssyncset.done $0x0  }
0x95: {  	s17 =	sld [smem:$0x13];
	[sflag:s15] =	ssyncadd.s32 $0xFFFFFFFF  }
0x96: {  	s18 =	sld [smem:$0x14];
	(tm) =	ssettm $0x1  }
0x97: {  	s5 =	sld [smem:$0x3FFB];
	_ =	sdelay $0x3  }
0x98: {  	_ =	strace s5  }
0x99: {  	s5 =	sld [smem:$0x3FFC];
	_ =	sdelay $0x3  }
0x9a: {  	_ =	strace s5  }
0x9b: {  	s5 =	sld [smem:$0x3FFD];
	_ =	sdelay $0x3  }
0x9c: {  	_ =	strace s5  }
0x9d: {  	_ =	strace $0x8FFFFFFF  }
0x9e: {  	s19 =	sld [smem:$0x3FDB];
	_ =	sdelay $0x1  }
0x9f: {  	s6 =	simm.s32 $_scs_section_size  }
0xa0: {  	s7 =	simm.s32 $_size__tile_overlayer_lowered;
	s8 =	simm.s32 $_tile_overlayer_lowered  }
0xa1: {  	s22 =	simm.s32 $0x1BFF;
	s21 =	sshll.u32 s8, $0x1;
	s5 =	sadd.s32 s6, s19  }
0xa2: {  	s9 =	simm.s32 $0x0;
	s20 =	sshll.u32 s7, $0x1;
	s7 =	sadd.s32 s21, s5  }
0xa3: {  	[timem:s9], [sflag:s22] =	dma.local [hbm:s7], s20  }
0xa4: {  	_ =	swait.ge [sflag:s22], s20  }
0xa5: {  	s6 =	ssub.s32 $0x0, s20;
	[sflag:s22] =	ssyncset.done $0x0  }
0xa6: {  	[sflag:s22] =	ssyncadd.s32 s6;
	_ =	sdelay $0x1  }
0xa7: {  	s23 =	simm.s32 $0x1B8B  }
0xa8: {  	_ =	swait.ge [sflag:s23], $0x1  }
0xa9: {  	[sflag:s23] =	ssyncset.done $0x0  }
0xaa: {  	s25 =	simm.s32 $0x1B8E;
	s24 =	sld [smem:$0x3FFE];
	[sflag:s23] =	ssyncadd.s32 $0xFFFFFFFF  }
0xab: {  	s26 =	simm.s32 $execute0_lowered;
	[smem:$0x3FD2] =	sst s25  }
0xac: {  	s7 =	sshll.u32 s26, $0x1;
	_ =	strace $0x80000046;
	[dreg:$0x1] =	wrdreg $0xFFFFFFFF  }
0xad: {  	s28 =	simm.s32 $_size_execute0_lowered;
	s5 =	sadd.s32 s5, s7;
	[dreg:$0x0] =	wrdreg $0x0  }
0xae: {  	s7 =	sshll.u32 s28, $0x1;
	[dreg:$0x2] =	wrdreg s5  }
0xaf: {  	[dreg:$0x3] =	wrdreg s7  }
0xb0: {  	[dreg:$0x4] =	wrdreg $0xC0  }
0xb1: {  	_ =	task [dreg:s9], $0x5FFFF  }
0xb2: {  	[dreg:$0x1] =	wrdreg $0xFFFFFFFF  }
0xb3: {  	[dreg:$0x0] =	wrdreg $0x60  }
0xb4: {  	[dreg:$0x2] =	wrdreg s24  }
0xb5: {  	[dreg:$0x3] =	wrdreg s18  }
0xb6: {  	[dreg:$0x4] =	wrdreg s17  }
0xb7: {  	[dreg:$0x5] =	wrdreg s16  }
0xb8: {  	[dreg:$0x6] =	wrdreg $0x9  }
0xb9: {  	_ =	task.clear_ibuf [dreg:s9], $0x7FFFF;
	_ =	strace $0x90000046  }
0xba: {  	s29 =	simm.s32 $0x9;
	_ =	strace $0x80000048  }
0xbb: {  	_ =	swait.ge [sflag:s29], $0x1  }
0xbc: {  	[sflag:s29] =	ssyncadd.s32 $0xFFFFFFFF  }
0xbd: {  	_ =	strace $0x90000048  }
0xbe: {  	_ =	sfence  }
0xbf: {  	s30 =	sld [smem:$0x0];
	_ =	sdelay $0x2  }
0xc0: {  	s31 =	sshll.u32 s1, $0xD;
	s1 =	sshrl.u32 s1, $0x2  }
0xc1: {  	s3 =	sand.u32 $0x4000, s31;
	s1 =	sadd.s32 s1, s30  }
0xc2: {  	s0 =	sor.u32 s3, s0;
	s1 =	sshll.u32 s1, $0x11  }
0xc3: {  	s0 =	sor.u32 s1, s0  }
0xc4: {  	s0 =	sadd.s32 $0x8F2B, s0  }
0xc5: {  	[sflag:s0] =	ssyncadd.remote.s32 $0x1  }
0xc6: {  	_ =	sfence.sel $0xFFFF  }
0xc7: {  	[dreg:$0x0] =	wrdreg $0xFFFFFFFF;
	(pc) =	sbr.abs _section_cstart, $3  }
0xc8: {  	[dreg:$0x1] =	wrdreg $0xFFFFFFFF  }
0xc9: {  	_ =	task.clear_ibuf [dreg:s9], $0x2FFFF;
	_ =	strace $0x9FFFFFFF  }
0xca: {  	(tm) =	ssettm $0x7FFFFFFF  }
0xcb: {  	_ =	shalt  }
tec
execute0_lowered:
.L_overlay_start_1:
0x0: {  	(tag) =	ssettag $0x1  }
0x1: {  	s6 =	rddreg [dreg:$0x0]  }
0x2: {  	s1 =	rddreg [dreg:$0x1]  }
0x3: {  	s2 =	rddreg [dreg:$0x2]  }
0x4: {  	s3 =	rddreg [dreg:$0x3]  }
0x5: {  	s0 =	rddreg [dreg:$0x4]  }
0x6: {  	s4 =	simm.s32 $0x0;
	s7 =	srdreg.scid;
	s13 =	simm.s32 $0x80  }
0x7: {  	s14 =	simm.s32 $0x100;
	s15 =	simm.s32 $0x180;
	s16 =	simm.s32 $0x1180  }
0x8: {  	s17 =	simm.s32 $0x2180;
	s18 =	simm.s32 $0x3180;
	s19 =	simm.s32 $0x1  }
0x9: {  	s20 =	simm.s32 $0x4180;
	s21 =	simm.s32 $0x0;
	[smem:$0x7FF] =	sst s4  }
0xa: {  	s5 =	sadd.s32 $0x2600, s6;
	s10 =	sand.u32 $0x1, s7;
	s7 =	sadd.s32 $0x1600, s6  }
0xb: {  	s8 =	sadd.s32 $0x3600, s6;
	s9 =	sadd.s32 $0x4600, s6;
	s11 =	ssub.s32 $0x2, s10  }
0xc: {  	s6 =	stileid.u32;
	_ =	strace $0x80000047;
	s12 =	sshrl.u32 s11, $0x1  }
0xd: {  	v0 =	vlaneseq.u32;
	s31 =	sshll.u32 s6, $0x4;
	s10 =	sshll.u32 s10, $0x3;
	s11 =	ssub.s32 s11, s12  }
0xe: {  	v0 =	vmul.u32 $0x20, v0;
	s10 =	sor.u32 s10, s31;
	s12 =	simm.s32 $0x2;
	s11 =	smax.u32 s11, $0x1  }
.LBB2_1:
0xf: {  	s22 =	simm.s32 $0x0  }
.LBB2_2:
0x10: {  	s23 =	sadd.s32 s10, s22  }
0x11: {  	s23 =	sshll.u32 s23, $0x4  }
0x12: {  	s24 =	simm.s32 $0x0;
	s25 =	sadd.s32 s5, s23  }
0x13: {  	[tilespmem:s24], [sflag:$0x2] =	stream.linear.gather [hbm4b:s25+s24], $0x80, $0x38;
	[tilespmem:$0x4200] =	vst v63  }
0x14: {  	_ =	swait.ge [sflag:s12], $0x80  }
0x15: {  	[sflag:s12] =	ssyncset.done $0x0  }
0x16: {  	s30 =	sadd.s32 s7, s23;
	[sflag:s12] =	ssyncadd.s32 $0xFFFFFF80  }
0x17: {  	[tilespmem:s13], [sflag:$0x2] =	stream.linear.gather [hbm4b:s30+s24], $0x80, $0x38;
	[tilespmem:$0x4200] =	vst v63  }
0x18: {  	_ =	swait.ge [sflag:s12], $0x80  }
0x19: {  	[sflag:s12] =	ssyncset.done $0x0  }
0x1a: {  	s31 =	sadd.s32 s8, s23;
	[sflag:s12] =	ssyncadd.s32 $0xFFFFFF80  }
0x1b: {  	[tilespmem:s14], [sflag:$0x2] =	stream.linear.gather [hbm4b:s31+s24], $0x80, $0x38;
	[tilespmem:$0x4200] =	vst v63  }
0x1c: {  	_ =	swait.ge [sflag:s12], $0x80  }
0x1d: {  	[sflag:s12] =	ssyncset.done $0x0  }
0x1e: {  	[sflag:s12] =	ssyncadd.s32 $0xFFFFFF80  }
0x1f: {  	[tilespmem:s15], [sflag:$0x1] =	stream.indirect.gather [hbm4b:s1+s13], $0x20, s24, s13, $0xb8;
	[tilespmem:$0x4200] =	vst v63  }
0x20: {  	_ = 	snop  }
0x21: {  	[tilespmem:s16], [sflag:$0x1] =	stream.indirect.gather [hbm4b:s2+s13], $0x20, s13, s13, $0xb8;
	[tilespmem:$0x4200] =	vst v63  }
0x22: {  	_ = 	snop  }
0x23: {  	[tilespmem:s17], [sflag:$0x1] =	stream.indirect.gather [hbm4b:s1+s13], $0x20, s14, s13, $0xb8;
	[tilespmem:$0x4200] =	vst v63  }
0x24: {  	_ = 	snop  }
0x25: {  	[tilespmem:s18], [sflag:$0x1] =	stream.indirect.gather [hbm4b:s3+s13], $0x20, s13, s13, $0xb8;
	[tilespmem:$0x4200] =	vst v63  }
0x26: {  	_ =	swait.ge [sflag:s19], $0x1000  }
0x27: {  	[sflag:s19] =	ssyncset.done $0x0  }
0x28: {  	[sflag:s19] =	ssyncadd.s32 $0xFFFFF000  }
0x29: {  	_ =	swait.ge [sflag:s19], $0x1000  }
0x2a: {  	[sflag:s19] =	ssyncset.done $0x0  }
0x2b: {  	[sflag:s19] =	ssyncadd.s32 $0xFFFFF000  }
0x2c: {  	_ =	swait.ge [sflag:s19], $0x1000  }
0x2d: {  	[sflag:s19] =	ssyncset.done $0x0  }
0x2e: {  	[sflag:s19] =	ssyncadd.s32 $0xFFFFF000  }
0x2f: {  	_ =	swait.ge [sflag:s19], $0x1000  }
0x30: {  	[sflag:s19] =	ssyncset.done $0x0  }
0x31: {  	s25 =	simm.s32 $0x4180;
	[sflag:s19] =	ssyncadd.s32 $0xFFFFF000  }
.LBB2_3:
0x32: {  	v1 =	vmov s24  }
0x33: {  	v1 =	vshll.u32 v1, $0x5  }
0x34: {  	v1 =	vor.u32 v0, v1;
	_ =	sdelay $0x2  }
0x35: {  	v2 =	vor.u32 $0x1, v1;
	_ =	sdelay $0x1  }
0x36: {  	v3 =	vld.idx.msk [tilespmem:v1+s15+$0x0], $0xffff  }
0x37: {  	v7 =	vor.u32 $0x2, v1;
	v4 =	vld.idx.msk [tilespmem:v1+s16+$0x0], $0xffff  }
0x38: {  	v9 =	vld.idx.msk [tilespmem:v1+s18+$0x0], $0xffff  }
0x39: {  	v6 =	vld.idx.msk [tilespmem:v2+s15+$0x0], $0xffff  }
0x3a: {  	v8 =	vld.idx.msk [tilespmem:v2+s16+$0x0], $0xffff  }
0x3b: {  	v11 =	vor.u32 $0x3, v1;
	v10 =	vld.idx.msk [tilespmem:v2+s17+$0x0], $0xffff  }
0x3c: {  	v13 =	vld.idx.msk [tilespmem:v7+s15+$0x0], $0xffff  }
0x3d: {  	v15 =	vld.idx.msk [tilespmem:v7+s16+$0x0], $0xffff  }
0x3e: {  	v18 =	vor.u32 $0x4, v1;
	v2 =	vld.idx.msk [tilespmem:v2+s18+$0x0], $0xffff  }
0x3f: {  	v16 =	vld.idx.msk [tilespmem:v7+s17+$0x0], $0xffff  }
0x40: {  	v17 =	vld.idx.msk [tilespmem:v11+s15+$0x0], $0xffff  }
0x41: {  	v19 =	vld.idx.msk [tilespmem:v11+s16+$0x0], $0xffff  }
0x42: {  	v21 =	vor.u32 $0x5, v1;
	v7 =	vld.idx.msk [tilespmem:v7+s18+$0x0], $0xffff  }
0x43: {  	v51 =	vld.idx.msk [tilespmem:v18+s15+$0x0], $0xffff  }
0x44: {  	v22 =	vld.idx.msk [tilespmem:v18+s16+$0x0], $0xffff  }
0x45: {  	v55 =	vld.idx.msk [tilespmem:v11+s18+$0x0], $0xffff  }
0x46: {  	v61 =	vor.u32 $0x6, v1;
	v58 =	vld.idx.msk [tilespmem:v18+s17+$0x0], $0xffff  }
0x47: {  	v60 =	vld.idx.msk [tilespmem:v21+s15+$0x0], $0xffff  }
0x48: {  	v63 =	vld.idx.msk [tilespmem:v21+s16+$0x0], $0xffff  }
0x49: {  	v24 =	vld.idx.msk [tilespmem:v18+s18+$0x0], $0xffff  }
0x4a: {  	v30 =	vor.u32 $0x7, v1;
	v28 =	vld.idx.msk [tilespmem:v21+s17+$0x0], $0xffff  }
0x4b: {  	v42 =	vor.u32 $0x8, v1;
	v32 =	vld.idx.msk [tilespmem:v61+s15+$0x0], $0xffff;
	v12 =	vadd.f32 v4, v3;
	v3 =	vmul.f32 v9, v3  }
0x4c: {  	v35 =	vld.idx.msk [tilespmem:v61+s16+$0x0], $0xffff;
	v4 =	vmul.f32 v9, v4;
	v14 =	vadd.f32 v8, v6;
	v6 =	vmul.f32 v2, v6  }
0x4d: {  	v36 =	vld.idx.msk [tilespmem:v21+s18+$0x0], $0xffff;
	v20 =	vadd.f32 v15, v13;
	v50 =	vmul.f32 v2, v8;
	v54 =	vmul.f32 v7, v13  }
0x4e: {  	v5 =	vld.idx.msk [tilespmem:v1+s17+$0x0], $0xffff;
	v53 =	vadd.f32 v19, v17;
	v56 =	vmul.f32 v7, v16;
	v59 =	vmul.f32 v7, v15  }
0x4f: {  	v7 =	vmul.f32 v7, v7;
	v25 =	vadd.f32 v22, v51;
	v27 =	vmul.f32 v55, v17  }
0x50: {  	v49 =	vld.idx.msk [tilespmem:v11+s17+$0x0], $0xffff;
	v31 =	vmul.f32 v55, v19;
	v34 =	vadd.f32 v63, v60;
	v8 =	vmul.f32 v24, v51  }
0x51: {  	v37 =	vmul.f32 v24, v58;
	v40 =	vmul.f32 v24, v22;
	v46 =	vadd.f32 v35, v32  }
0x52: {  	v48 =	vmul.f32 v36, v60;
	v11 =	vmul.f32 v36, v28;
	v51 =	vor.u32 $0x9, v1  }
0x53: {  	v12 =	vsub.f32 v12, v5;
	v5 =	vmul.f32 v9, v5;
	v3 =	vadd.f32 $0.0e+00, v3  }
0x54: {  	v39 =	vld.idx.msk [tilespmem:v61+s17+$0x0], $0xffff;
	v4 =	vadd.f32 $0.0e+00, v4;
	v9 =	vmul.f32 v9, v9;
	v14 =	vsub.f32 v14, v10  }
0x55: {  	v10 =	vmul.f32 v2, v10;
	v20 =	vsub.f32 v20, v16;
	v57 =	vsub.f32 v53, v49  }
0x56: {  	v45 =	vld.idx.msk [tilespmem:v61+s18+$0x0], $0xffff;
	v2 =	vmul.f32 v2, v2;
	v29 =	vsub.f32 v25, v58;
	v38 =	vsub.f32 v34, v28  }
0x57: {  	v12 =	vmul.f32 v12, v12;
	v5 =	vadd.f32 $0.0e+00, v5;
	v3 =	vadd.f32 v6, v3  }
0x58: {  	v41 =	vld.idx.msk [tilespmem:v30+s15+$0x0], $0xffff;
	v4 =	vadd.f32 v50, v4;
	v6 =	vmul.f32 v24, v24;
	v14 =	vmul.f32 v14, v14  }
0x59: {  	v44 =	vld.idx.msk [tilespmem:v30+s16+$0x0], $0xffff;
	v50 =	vsub.f32 v46, v39;
	v52 =	vmul.f32 v20, v20;
	v62 =	vmul.f32 v57, v57  }
0x5a: {  	v2 =	vadd.f32 v2, v9;
	v9 =	vmul.f32 v55, v55;
	v33 =	vmul.f32 v29, v29  }
0x5b: {  	v58 =	vld.idx.msk [tilespmem:v30+s18+$0x0], $0xffff;
	v24 =	vor.u32 $0xA, v1;
	v43 =	vmul.f32 v38, v38;
	v57 =	vmul.f32 v45, v32  }
0x5c: {  	v32 =	vor.u32 $0xB, v1;
	v5 =	vadd.f32 v10, v5;
	v3 =	vadd.f32 v54, v3  }
0x5d: {  	v4 =	vadd.f32 v59, v4;
	v54 =	vmul.f32 v50, v50;
	v12 =	vadd.f32 v14, v12  }
0x5e: {  	v2 =	vadd.f32 v7, v2;
	v14 =	vmul.f32 v55, v49;
	v55 =	vadd.f32 v44, v41  }
0x5f: {  	v61 =	vld.idx.msk [tilespmem:v42+s17+$0x0], $0xffff;
	v59 =	vmul.f32 v45, v39;
	v5 =	vadd.f32 v56, v5;
	v3 =	vadd.f32 v27, v3  }
0x60: {  	v49 =	vld.idx.msk [tilespmem:v30+s17+$0x0], $0xffff;
	v4 =	vadd.f32 v31, v4;
	v29 =	vmul.f32 v58, v41;
	v10 =	vadd.f32 v52, v12  }
0x61: {  	v53 =	vld.idx.msk [tilespmem:v42+s15+$0x0], $0xffff;
	v2 =	vadd.f32 v9, v2;
	v52 =	vmul.f32 v36, v63;
	v5 =	vadd.f32 v14, v5  }
0x62: {  	v56 =	vld.idx.msk [tilespmem:v42+s16+$0x0], $0xffff;
	v9 =	vmul.f32 v36, v36;
	v3 =	vadd.f32 v8, v3;
	v4 =	vadd.f32 v40, v4  }
0x63: {  	v27 =	vld.idx.msk [tilespmem:v42+s18+$0x0], $0xffff;
	v8 =	vmul.f32 v45, v45;
	v26 =	vadd.f32 v62, v10;
	v2 =	vadd.f32 v6, v2  }
0x64: {  	v39 =	vld.idx.msk [tilespmem:v51+s18+$0x0], $0xffff;
	v62 =	vmul.f32 v45, v35;
	v5 =	vadd.f32 v37, v5;
	v3 =	vadd.f32 v48, v3  }
0x65: {  	v63 =	vld.idx.msk [tilespmem:v51+s15+$0x0], $0xffff;
	v45 =	vor.u32 $0xC, v1;
	v4 =	vadd.f32 v52, v4;
	v60 =	vsub.f32 v55, v49  }
0x66: {  	v30 =	vld.idx.msk [tilespmem:v51+s17+$0x0], $0xffff;
	v10 =	vmul.f32 v58, v49;
	v7 =	vadd.f32 v33, v26;
	v2 =	vadd.f32 v9, v2  }
0x67: {  	v34 =	vld.idx.msk [tilespmem:v24+s15+$0x0], $0xffff;
	v28 =	vadd.f32 v56, v53;
	v33 =	vmul.f32 v58, v44;
	v9 =	vmul.f32 v58, v58  }
0x68: {  	v42 =	vld.idx.msk [tilespmem:v24+s17+$0x0], $0xffff;
	v38 =	vmul.f32 v27, v53;
	v40 =	vmul.f32 v27, v61;
	v53 =	vor.u32 $0xD, v1  }
0x69: {  	v37 =	vld.idx.msk [tilespmem:v24+s16+$0x0], $0xffff;
	v5 =	vadd.f32 v11, v5;
	v3 =	vadd.f32 v57, v3;
	v25 =	vmul.f32 v60, v60  }
0x6a: {  	v48 =	vld.idx.msk [tilespmem:v24+s18+$0x0], $0xffff;
	v4 =	vadd.f32 v62, v4;
	v50 =	vmul.f32 v39, v63;
	v47 =	vadd.f32 v43, v7  }
0x6b: {  	v11 =	vmul.f32 v39, v30;
	v2 =	vadd.f32 v8, v2;
	v31 =	vsub.f32 v28, v61  }
0x6c: {  	v26 =	vld.idx.msk [tilespmem:v51+s16+$0x0], $0xffff;
	v43 =	vmul.f32 v27, v56;
	v5 =	vadd.f32 v59, v5;
	v3 =	vadd.f32 v29, v3  }
0x6d: {  	v44 =	vld.idx.msk [tilespmem:v32+s15+$0x0], $0xffff;
	v7 =	vmul.f32 v27, v27;
	v4 =	vadd.f32 v33, v4;
	v6 =	vadd.f32 v54, v47  }
0x6e: {  	v51 =	vld.idx.msk [tilespmem:v32+s17+$0x0], $0xffff;
	v35 =	vmul.f32 v31, v31;
	v2 =	vadd.f32 v9, v2;
	v9 =	vmul.f32 v39, v39  }
0x6f: {  	v60 =	vld.idx.msk [tilespmem:v32+s18+$0x0], $0xffff;
	v49 =	vadd.f32 v37, v34;
	v59 =	vmul.f32 v48, v34;
	v61 =	vmul.f32 v48, v42  }
0x70: {  	v55 =	vld.idx.msk [tilespmem:v45+s15+$0x0], $0xffff;
	v24 =	vmul.f32 v48, v37;
	v8 =	vmul.f32 v48, v48;
	v5 =	vadd.f32 v10, v5  }
0x71: {  	v58 =	vld.idx.msk [tilespmem:v45+s16+$0x0], $0xffff;
	v34 =	vor.u32 $0xF, v1;
	v36 =	vadd.f32 v26, v63;
	v3 =	vadd.f32 v38, v3  }
0x72: {  	v29 =	vld.idx.msk [tilespmem:v45+s18+$0x0], $0xffff;
	v4 =	vadd.f32 v43, v4;
	v54 =	vmul.f32 v39, v26;
	v6 =	vadd.f32 v25, v6  }
0x73: {  	v26 =	vor.u32 $0xE, v1;
	v2 =	vadd.f32 v7, v2;
	v52 =	vsub.f32 v49, v42  }
0x74: {  	v47 =	vld.idx.msk [tilespmem:v32+s16+$0x0], $0xffff;
	v31 =	vmul.f32 v60, v44;
	v41 =	vsub.f32 v36, v30;
	v5 =	vadd.f32 v40, v5  }
0x75: {  	v63 =	vld.idx.msk [tilespmem:v45+s17+$0x0], $0xffff;
	v10 =	vmul.f32 v60, v51;
	v3 =	vadd.f32 v50, v3;
	v4 =	vadd.f32 v54, v4  }
0x76: {  	v28 =	vld.idx.msk [tilespmem:v53+s16+$0x0], $0xffff;
	v6 =	vadd.f32 v35, v6;
	v56 =	vmul.f32 v52, v52;
	v2 =	vadd.f32 v9, v2  }
0x77: {  	v32 =	vld.idx.msk [tilespmem:v53+s17+$0x0], $0xffff;
	v30 =	vadd.f32 v58, v55;
	v9 =	vmul.f32 v60, v60;
	v40 =	vmul.f32 v29, v55  }
0x78: {  	v25 =	vld.idx.msk [tilespmem:v53+s15+$0x0], $0xffff;
	v45 =	vmul.f32 v29, v58;
	v7 =	vmul.f32 v29, v29;
	v5 =	vadd.f32 v11, v5  }
0x79: {  	v46 =	vmul.f32 v41, v41;
	v57 =	vadd.f32 v47, v44;
	v3 =	vadd.f32 v59, v3;
	v41 =	vld.idx.msk [tilespmem:v53+s18+$0x0], $0xffff  }
0x7a: {  	v55 =	vor.u32 $0x11, v1;
	v4 =	vadd.f32 v24, v4;
	v49 =	vld.idx.msk [tilespmem:v34+s16+$0x0], $0xffff;
	v2 =	vadd.f32 v8, v2  }
0x7b: {  	v35 =	vmul.f32 v60, v47;
	v53 =	vld.idx.msk [tilespmem:v34+s17+$0x0], $0xffff;
	v33 =	vsub.f32 v30, v63;
	v6 =	vadd.f32 v46, v6  }
0x7c: {  	v47 =	vor.u32 $0x10, v1;
	v36 =	vld.idx.msk [tilespmem:v26+s15+$0x0], $0xffff;
	v62 =	vsub.f32 v57, v51;
	v5 =	vadd.f32 v61, v5  }
0x7d: {  	v39 =	vld.idx.msk [tilespmem:v26+s16+$0x0], $0xffff;
	v42 =	vmul.f32 v29, v63;
	v3 =	vadd.f32 v31, v3;
	v38 =	vadd.f32 v28, v25  }
0x7e: {  	v44 =	vld.idx.msk [tilespmem:v26+s17+$0x0], $0xffff;
	v4 =	vadd.f32 v35, v4;
	v35 =	vor.u32 $0x13, v1;
	v2 =	vadd.f32 v9, v2  }
0x7f: {  	v50 =	vld.idx.msk [tilespmem:v26+s18+$0x0], $0xffff;
	v37 =	vmul.f32 v33, v33;
	v6 =	vadd.f32 v56, v6;
	v5 =	vadd.f32 v10, v5  }
0x80: {  	v46 =	vld.idx.msk [tilespmem:v34+s15+$0x0], $0xffff;
	v27 =	vmul.f32 v62, v62;
	v43 =	vsub.f32 v38, v32;
	v3 =	vadd.f32 v40, v3  }
0x81: {  	v4 =	vadd.f32 v45, v4;
	v62 =	vld.idx.msk [tilespmem:v34+s18+$0x0], $0xffff;
	v52 =	vmul.f32 v41, v25;
	v11 =	vmul.f32 v41, v32  }
0x82: {  	v26 =	vld.idx.msk [tilespmem:v55+s15+$0x0], $0xffff;
	v2 =	vadd.f32 v7, v2;
	v56 =	vmul.f32 v41, v28;
	v9 =	vmul.f32 v41, v41  }
0x83: {  	v29 =	vld.idx.msk [tilespmem:v55+s16+$0x0], $0xffff;
	v6 =	vadd.f32 v27, v6;
	v5 =	vadd.f32 v42, v5;
	v48 =	vmul.f32 v43, v43  }
0x84: {  	v33 =	vld.idx.msk [tilespmem:v55+s17+$0x0], $0xffff;
	v51 =	vadd.f32 v39, v36;
	v61 =	vmul.f32 v50, v36;
	v63 =	vmul.f32 v50, v44  }
0x85: {  	v57 =	vld.idx.msk [tilespmem:v47+s15+$0x0], $0xffff;
	v25 =	vmul.f32 v50, v39;
	v3 =	vadd.f32 v52, v3;
	v59 =	vadd.f32 v49, v46  }
0x86: {  	v60 =	vld.idx.msk [tilespmem:v47+s16+$0x0], $0xffff;
	v27 =	vor.u32 $0x12, v1;
	v4 =	vadd.f32 v56, v4;
	v2 =	vadd.f32 v9, v2  }
0x87: {  	v30 =	vld.idx.msk [tilespmem:v47+s18+$0x0], $0xffff;
	v8 =	vmul.f32 v50, v50;
	v6 =	vadd.f32 v37, v6;
	v54 =	vsub.f32 v51, v44  }
0x88: {  	v24 =	vld.idx.msk [tilespmem:v47+s17+$0x0], $0xffff;
	v56 =	vor.u32 $0x15, v1;
	v5 =	vadd.f32 v11, v5;
	v23 =	vsub.f32 v59, v53  }
0x89: {  	v42 =	vld.idx.msk [tilespmem:v55+s18+$0x0], $0xffff;
	v3 =	vadd.f32 v61, v3;
	v4 =	vadd.f32 v25, v4;
	v32 =	vmul.f32 v62, v46  }
0x8a: {  	v47 =	vld.idx.msk [tilespmem:v35+s15+$0x0], $0xffff;
	v2 =	vadd.f32 v8, v2;
	v10 =	vmul.f32 v62, v53;
	v36 =	vmul.f32 v62, v49  }
0x8b: {  	v50 =	vld.idx.msk [tilespmem:v35+s16+$0x0], $0xffff;
	v9 =	vmul.f32 v62, v62;
	v39 =	vadd.f32 v29, v26;
	v6 =	vadd.f32 v48, v6  }
0x8c: {  	v58 =	vmul.f32 v54, v54;
	v5 =	vadd.f32 v63, v5;
	v41 =	vmul.f32 v30, v57;
	v54 =	vld.idx.msk [tilespmem:v35+s17+$0x0], $0xffff  }
0x8d: {  	v31 =	vadd.f32 v60, v57;
	v43 =	vmul.f32 v30, v24;
	v46 =	vmul.f32 v30, v60;
	v63 =	vld.idx.msk [tilespmem:v35+s18+$0x0], $0xffff  }
0x8e: {  	v48 =	vor.u32 $0x14, v1;
	v7 =	vmul.f32 v30, v30;
	v3 =	vadd.f32 v32, v3;
	v37 =	vld.idx.msk [tilespmem:v27+s15+$0x0], $0xffff  }
0x8f: {  	v28 =	vmul.f32 v23, v23;
	v40 =	vld.idx.msk [tilespmem:v27+s16+$0x0], $0xffff;
	v4 =	vadd.f32 v36, v4;
	v2 =	vadd.f32 v9, v2  }
0x90: {  	v44 =	vsub.f32 v39, v33;
	v45 =	vld.idx.msk [tilespmem:v27+s17+$0x0], $0xffff;
	v53 =	vmul.f32 v42, v26;
	v11 =	vmul.f32 v42, v33  }
0x91: {  	v51 =	vld.idx.msk [tilespmem:v27+s18+$0x0], $0xffff;
	v57 =	vmul.f32 v42, v29;
	v6 =	vadd.f32 v58, v6;
	v34 =	vsub.f32 v31, v24  }
0x92: {  	v9 =	vmul.f32 v42, v42;
	v5 =	vadd.f32 v10, v5;
	v60 =	vadd.f32 v50, v47;
	v27 =	vld.idx.msk [tilespmem:v56+s15+$0x0], $0xffff  }
0x93: {  	v36 =	vor.u32 $0x17, v1;
	v30 =	vld.idx.msk [tilespmem:v56+s16+$0x0], $0xffff;
	v3 =	vadd.f32 v41, v3;
	v4 =	vadd.f32 v46, v4  }
0x94: {  	v18 =	vld.idx.msk [tilespmem:v56+s18+$0x0], $0xffff;
	v49 =	vmul.f32 v44, v44;
	v2 =	vadd.f32 v7, v2;
	v6 =	vadd.f32 v28, v6  }
0x95: {  	v38 =	vmul.f32 v34, v34;
	v5 =	vadd.f32 v43, v5;
	v3 =	vadd.f32 v53, v3;
	v58 =	vld.idx.msk [tilespmem:v48+s15+$0x0], $0xffff  }
0x96: {  	v28 =	vor.u32 $0x16, v1;
	v61 =	vld.idx.msk [tilespmem:v48+s16+$0x0], $0xffff;
	v4 =	vadd.f32 v57, v4;
	v2 =	vadd.f32 v9, v2  }
0x97: {  	v24 =	vsub.f32 v60, v54;
	v25 =	vld.idx.msk [tilespmem:v48+s17+$0x0], $0xffff;
	v33 =	vmul.f32 v63, v47;
	v10 =	vmul.f32 v63, v54  }
0x98: {  	v31 =	vld.idx.msk [tilespmem:v48+s18+$0x0], $0xffff;
	v9 =	vmul.f32 v63, v63;
	v48 =	vor.u32 $0x18, v1;
	v6 =	vadd.f32 v38, v6  }
0x99: {  	v34 =	vld.idx.msk [tilespmem:v56+s17+$0x0], $0xffff;
	v52 =	vadd.f32 v40, v37;
	v62 =	vmul.f32 v51, v37;
	v23 =	vmul.f32 v51, v45  }
0x9a: {  	v5 =	vadd.f32 v11, v5;
	v26 =	vmul.f32 v51, v40;
	v8 =	vmul.f32 v51, v51;
	v47 =	vld.idx.msk [tilespmem:v36+s15+$0x0], $0xffff  }
0x9b: {  	v37 =	vmul.f32 v63, v50;
	v50 =	vld.idx.msk [tilespmem:v36+s16+$0x0], $0xffff;
	v29 =	vmul.f32 v24, v24;
	v40 =	vadd.f32 v30, v27  }
0x9c: {  	v51 =	vmul.f32 v18, v27;
	v6 =	vadd.f32 v49, v6;
	v55 =	vsub.f32 v52, v45;
	v38 =	vld.idx.msk [tilespmem:v28+s15+$0x0], $0xffff  }
0x9d: {  	v57 =	vmul.f32 v18, v30;
	v3 =	vadd.f32 v62, v3;
	v5 =	vadd.f32 v23, v5;
	v41 =	vld.idx.msk [tilespmem:v28+s16+$0x0], $0xffff  }
0x9e: {  	v4 =	vadd.f32 v26, v4;
	v2 =	vadd.f32 v8, v2;
	v62 =	vor.u32 $0x19, v1;
	v45 =	vld.idx.msk [tilespmem:v28+s17+$0x0], $0xffff  }
0x9f: {  	v44 =	vsub.f32 v40, v34;
	v52 =	vld.idx.msk [tilespmem:v28+s18+$0x0], $0xffff;
	v54 =	vmul.f32 v18, v34;
	v28 =	vor.u32 $0x1A, v1  }
0xa0: {  	v59 =	vmul.f32 v55, v55;
	v32 =	vadd.f32 v61, v58;
	v3 =	vadd.f32 v33, v3  }
0xa1: {  	v23 =	vld.idx.msk [tilespmem:v36+s18+$0x0], $0xffff;
	v5 =	vadd.f32 v10, v5;
	v4 =	vadd.f32 v37, v4;
	v42 =	vmul.f32 v31, v58  }
0xa2: {  	v2 =	vadd.f32 v9, v2;
	v43 =	vmul.f32 v31, v25;
	v46 =	vmul.f32 v31, v61  }
0xa3: {  	v7 =	vmul.f32 v31, v31;
	v58 =	vmul.f32 v18, v18;
	v60 =	vadd.f32 v50, v47  }
0xa4: {  	v55 =	vld.idx.msk [tilespmem:v36+s17+$0x0], $0xffff;
	v37 =	vor.u32 $0x1B, v1;
	v6 =	vadd.f32 v59, v6;
	v35 =	vsub.f32 v32, v25  }
0xa5: {  	v61 =	vld.idx.msk [tilespmem:v48+s16+$0x0], $0xffff;
	v49 =	vmul.f32 v44, v44;
	v3 =	vadd.f32 v42, v3;
	v5 =	vadd.f32 v43, v5  }
0xa6: {  	v26 =	vld.idx.msk [tilespmem:v48+s17+$0x0], $0xffff;
	v4 =	vadd.f32 v46, v4;
	v2 =	vadd.f32 v7, v2;
	v32 =	vmul.f32 v23, v47  }
0xa7: {  	v16 =	vld.idx.msk [tilespmem:v48+s18+$0x0], $0xffff;
	v10 =	vmul.f32 v23, v50;
	v47 =	vor.u32 $0x1C, v1;
	v6 =	vadd.f32 v29, v6  }
0xa8: {  	v59 =	vld.idx.msk [tilespmem:v48+s15+$0x0], $0xffff;
	v39 =	vmul.f32 v35, v35;
	v53 =	vadd.f32 v41, v38;
	v3 =	vadd.f32 v51, v3  }
0xa9: {  	v31 =	vld.idx.msk [tilespmem:v62+s15+$0x0], $0xffff;
	v5 =	vadd.f32 v54, v5;
	v4 =	vadd.f32 v57, v4;
	v63 =	vmul.f32 v52, v38  }
0xaa: {  	v33 =	vld.idx.msk [tilespmem:v62+s16+$0x0], $0xffff;
	v2 =	vadd.f32 v58, v2;
	v24 =	vmul.f32 v52, v45;
	v27 =	vmul.f32 v52, v41  }
0xab: {  	v34 =	vld.idx.msk [tilespmem:v62+s17+$0x0], $0xffff;
	v29 =	vmul.f32 v52, v52;
	v35 =	vmul.f32 v23, v23;
	v25 =	vsub.f32 v60, v55  }
0xac: {  	v36 =	vld.idx.msk [tilespmem:v28+s15+$0x0], $0xffff;
	v9 =	vmul.f32 v23, v55;
	v6 =	vadd.f32 v39, v6;
	v56 =	vsub.f32 v53, v45  }
0xad: {  	v41 =	vld.idx.msk [tilespmem:v62+s18+$0x0], $0xffff;
	v40 =	vmul.f32 v16, v26;
	v3 =	vadd.f32 v63, v3;
	v5 =	vadd.f32 v24, v5  }
0xae: {  	v38 =	vld.idx.msk [tilespmem:v28+s16+$0x0], $0xffff;
	v44 =	vmul.f32 v16, v61;
	v4 =	vadd.f32 v27, v4;
	v2 =	vadd.f32 v29, v2  }
0xaf: {  	v51 =	vld.idx.msk [tilespmem:v28+s18+$0x0], $0xffff;
	v45 =	vmul.f32 v16, v16;
	v53 =	vor.u32 $0x1D, v1;
	v12 =	vmul.f32 v25, v25  }
0xb0: {  	v43 =	vld.idx.msk [tilespmem:v28+s17+$0x0], $0xffff;
	v30 =	vadd.f32 v61, v59;
	v39 =	vmul.f32 v16, v59;
	v6 =	vadd.f32 v49, v6  }
0xb1: {  	v46 =	vld.idx.msk [tilespmem:v37+s15+$0x0], $0xffff;
	v8 =	vmul.f32 v56, v56;
	v3 =	vadd.f32 v32, v3;
	v5 =	vadd.f32 v9, v5  }
0xb2: {  	v52 =	vld.idx.msk [tilespmem:v37+s17+$0x0], $0xffff;
	v4 =	vadd.f32 v10, v4;
	v2 =	vadd.f32 v35, v2;
	v50 =	vmul.f32 v41, v31  }
0xb3: {  	v55 =	vld.idx.msk [tilespmem:v37+s18+$0x0], $0xffff;
	v42 =	vadd.f32 v33, v31;
	v15 =	vmul.f32 v41, v34;
	v54 =	vmul.f32 v41, v33  }
0xb4: {  	v49 =	vld.idx.msk [tilespmem:v37+s16+$0x0], $0xffff;
	v7 =	vsub.f32 v30, v26;
	v56 =	vmul.f32 v41, v41;
	v60 =	vmul.f32 v51, v36  }
0xb5: {  	v57 =	vld.idx.msk [tilespmem:v47+s15+$0x0], $0xffff;
	v48 =	vadd.f32 v38, v36;
	v62 =	vmul.f32 v51, v43;
	v9 =	vmul.f32 v51, v38  }
0xb6: {  	v59 =	vld.idx.msk [tilespmem:v47+s16+$0x0], $0xffff;
	v24 =	vmul.f32 v51, v51;
	v26 =	vor.u32 $0x1E, v1;
	v6 =	vadd.f32 v8, v6  }
0xb7: {  	v61 =	vld.idx.msk [tilespmem:v47+s17+$0x0], $0xffff;
	v1 =	vor.u32 $0x1F, v1;
	v3 =	vadd.f32 v39, v3;
	v5 =	vadd.f32 v40, v5  }
0xb8: {  	v27 =	vld.idx.msk [tilespmem:v47+s18+$0x0], $0xffff;
	v4 =	vadd.f32 v44, v4;
	v2 =	vadd.f32 v45, v2;
	v30 =	vmul.f32 v55, v46  }
0xb9: {  	v31 =	vmul.f32 v55, v52;
	v8 =	vsub.f32 v48, v43;
	v6 =	vadd.f32 v12, v6  }
0xba: {  	v7 =	vmul.f32 v7, v7;
	v63 =	vld.idx.msk [tilespmem:v53+s15+$0x0], $0xffff;
	v3 =	vadd.f32 v50, v3;
	v5 =	vadd.f32 v15, v5  }
0xbb: {  	v25 =	vld.idx.msk [tilespmem:v53+s16+$0x0], $0xffff;
	v4 =	vadd.f32 v54, v4;
	v2 =	vadd.f32 v56, v2;
	v8 =	vmul.f32 v8, v8  }
0xbc: {  	v29 =	vld.idx.msk [tilespmem:v53+s17+$0x0], $0xffff;
	v58 =	vadd.f32 v49, v46;
	v28 =	vadd.f32 v59, v57;
	v32 =	vmul.f32 v55, v49  }
0xbd: {  	v33 =	vld.idx.msk [tilespmem:v53+s18+$0x0], $0xffff;
	v38 =	vmul.f32 v27, v57;
	v40 =	vmul.f32 v27, v61;
	v6 =	vadd.f32 v7, v6  }
0xbe: {  	v41 =	vmul.f32 v27, v59;
	v7 =	vsub.f32 v42, v34;
	v3 =	vadd.f32 v60, v3;
	v36 =	vld.idx.msk [tilespmem:v26+s15+$0x0], $0xffff  }
0xbf: {  	v43 =	vmul.f32 v27, v27;
	v5 =	vadd.f32 v62, v5;
	v4 =	vadd.f32 v9, v4;
	v37 =	vld.idx.msk [tilespmem:v26+s16+$0x0], $0xffff  }
0xc0: {  	v2 =	vadd.f32 v24, v2;
	v34 =	vmul.f32 v55, v55;
	v39 =	vld.idx.msk [tilespmem:v26+s17+$0x0], $0xffff;
	v3 =	vadd.f32 v30, v3  }
0xc1: {  	v42 =	vld.idx.msk [tilespmem:v26+s18+$0x0], $0xffff;
	v7 =	vmul.f32 v7, v7;
	v35 =	vadd.f32 v25, v63;
	v5 =	vadd.f32 v31, v5  }
0xc2: {  	v45 =	vld.idx.msk [tilespmem:v1+s15+$0x0], $0xffff;
	v4 =	vadd.f32 v32, v4;
	v2 =	vadd.f32 v34, v2;
	v46 =	vmul.f32 v33, v63  }
0xc3: {  	v49 =	vld.idx.msk [tilespmem:v1+s18+$0x0], $0xffff;
	v48 =	vmul.f32 v33, v29;
	v6 =	vadd.f32 v7, v6;
	v7 =	vsub.f32 v58, v52  }
0xc4: {  	v47 =	vld.idx.msk [tilespmem:v1+s17+$0x0], $0xffff;
	v50 =	vmul.f32 v33, v25;
	v10 =	vsub.f32 v35, v29;
	v3 =	vadd.f32 v38, v3  }
0xc5: {  	v1 =	vld.idx.msk [tilespmem:v1+s16+$0x0], $0xffff;
	v51 =	vmul.f32 v33, v33;
	v5 =	vadd.f32 v40, v5;
	v4 =	vadd.f32 v41, v4  }
0xc6: {  	v2 =	vadd.f32 v43, v2;
	v52 =	vadd.f32 v37, v36;
	v53 =	vmul.f32 v42, v36  }
0xc7: {  	v54 =	vmul.f32 v42, v39;
	v55 =	vmul.f32 v42, v37;
	v6 =	vadd.f32 v8, v6  }
0xc8: {  	v56 =	vmul.f32 v49, v45;
	v8 =	vsub.f32 v28, v61;
	v3 =	vadd.f32 v46, v3  }
0xc9: {  	v7 =	vmul.f32 v7, v7;
	v5 =	vadd.f32 v48, v5;
	v4 =	vadd.f32 v50, v4  }
0xca: {  	v44 =	vmul.f32 v10, v10;
	v2 =	vadd.f32 v51, v2;
	v10 =	vadd.f32 v1, v45  }
0xcb: {  	v6 =	vadd.f32 v7, v6;
	v8 =	vmul.f32 v8, v8;
	v7 =	vsub.f32 v52, v39  }
0xcc: {  	v57 =	vmul.f32 v49, v47;
	v3 =	vadd.f32 v53, v3;
	v5 =	vadd.f32 v54, v5  }
0xcd: {  	v58 =	vmul.f32 v42, v42;
	v4 =	vadd.f32 v55, v4;
	v6 =	vadd.f32 v8, v6  }
0xce: {  	v1 =	vmul.f32 v49, v1;
	v3 =	vadd.f32 v56, v3;
	v5 =	vadd.f32 v57, v5  }
0xcf: {  	v10 =	vsub.f32 v10, v47;
	v7 =	vmul.f32 v7, v7;
	v6 =	vadd.f32 v44, v6  }
0xd0: {  	v1 =	vadd.f32 v1, v4;
	v3 =	vsub.f32 v3, v5  }
0xd1: {  	v61 =	vmul.f32 v49, v49;
	v2 =	vadd.f32 v58, v2;
	v59 =	vadd.f32 v7, v6  }
0xd2: {  	v60 =	vmul.f32 v10, v10;
	v1 =	vadd.f32 v3, v1;
	v62 =	vadd.f32 v3, v3  }
0xd3: {  	v2 =	vadd.f32 v61, v2  }
0xd4: {  	v3 =	vmul.f32 v3, v3;
	v4 =	vadd.f32 v60, v59;
	v1 =	vmul.f32 v1, v62;
	_ =	sdelay $0x1  }
0xd5: {  	v2 =	vmul.f32 v3, v2;
	v1 =	vsub.f32 v4, v1;
	_ =	sdelay $0x1  }
0xd6: {  	v1 =	vadd.f32 v1, v2;
	_ =	sdelay $0x1  }
0xd7: {  	v1 =	vmax.f32 v1, $1.000000000e-30  }
0xd8: {  	v2 =	vshra.s32 v1, $0x1;
	v3 =	vmul.f32 $5.000000000e-01, v1  }
0xd9: {  	v2 =	vsub.s32 $0x5F3759DF, v2  }
0xda: {  	v63 =	vmul.f32 v2, v3;
	_ =	sdelay $0x1  }
0xdb: {  	v4 =	vmul.f32 v2, v63;
	_ =	sdelay $0x1  }
0xdc: {  	v4 =	vsub.f32 $1.500000000e+00, v4;
	_ =	sdelay $0x1  }
0xdd: {  	v2 =	vmul.f32 v2, v4;
	_ =	sdelay $0x1  }
0xde: {  	v4 =	vmul.f32 v2, v3;
	_ =	sdelay $0x1  }
0xdf: {  	v4 =	vmul.f32 v4, v2;
	_ =	sdelay $0x1  }
0xe0: {  	v4 =	vsub.f32 $1.500000000e+00, v4;
	_ =	sdelay $0x1  }
0xe1: {  	v2 =	vmul.f32 v4, v2;
	_ =	sdelay $0x1  }
0xe2: {  	v3 =	vmul.f32 v2, v3;
	_ =	sdelay $0x1  }
0xe3: {  	v3 =	vmul.f32 v3, v2;
	_ =	sdelay $0x1  }
0xe4: {  	v3 =	vsub.f32 $1.500000000e+00, v3  }
0xe5: {  	p0 =	sne.s32 s24, $0x70  }
.Ltmp0:
0xe6: {  	v2 =	vmul.f32 v3, v2;
	(pc) =	sbr.rel @p0 .LBB2_3-.Ltmp0, $3  }
0xe7: {  	_ = 	snop  }
0xe8: {  	v1 =	vmul.f32 v2, v1;
	_ =	sdelay $0x1  }
0xe9: {  	s24 =	sadd.s32 $0x10, s24;
	[tilespmem:s25+$0x0] =	vst v1;
	s25 =	sadd.s32 $0x10, s25  }
0xea: {  	s22 =	sadd.s32 $0x1, s22  }
0xeb: {  	p0 =	sne.s32 s22, $0x8  }
.Ltmp1:
0xec: {  	s23 =	sadd.s32 s9, s23;
	(pc) =	sbr.rel @p0 .LBB2_2-.Ltmp1, $4  }
0xed: {  	[hbm4b:s23+s4] =	stream.linear.scatter [tilespmem:s20], [sflag:$0x2], $0x80, $0x38;
	[tilespmem:$0x4200] =	vst v63  }
0xee: {  	_ =	swait.ge [sflag:s12], $0x80  }
0xef: {  	[sflag:s12] =	ssyncset.done $0x0  }
0xf0: {  	[sflag:s12] =	ssyncadd.s32 $0xFFFFFF80  }
0xf1: {  	s21 =	sadd.s32 $0x1, s21  }
0xf2: {  	p0 =	sne.s32 s21, s11  }
.Ltmp2:
0xf3: {  	_ = 	snop;
	(pc) =	sbr.rel @p0 .LBB2_1-.Ltmp2, $1  }
0xf4: {  	_ =	sdelay $0x3  }
0xf5: {  	_ =	sfence.sel $0x180000  }
0xf6: {  	[bflag:$0x0] =	sbarrier.arrive $0xFFFF  }
0xf7: {  	p0 =	sne.s32 s6, $0x0;
	_ =	strace $0x90000047  }
0xf8: {  	s0 =	sadd.s32 @!p0 $0x100000, s0;
	[bflag:$0x2] =	sbarrier.arrive $0xFFFF  }
0xf9: {  	[sflag:s0] =	ssyncadd.tile.s32 @!p0 $0x1;
	_ =	shalt  }
.Lfunc_end2:
_tile_overlayer_lowered:
.L_overlay_start_2:
0xfa: {  	(tag) =	ssettag $0x2  }
0xfb: {  	s0 =	rddreg [dreg:$0x0];
	s2 =	stileid.u32  }
0xfc: {  	s1 =	rddreg [dreg:$0x1];
	p0 =	sne.s32 s2, $0x0  }
0xfd: {  	s3 =	rddreg [dreg:$0x2];
	[bflag:$0x3] =	sbarrier.arrive $0xFFFF;
	s2 =	simm.s32 @!p0 $0x1C02  }
0xfe: {  	[timem:s3], [sflag:s2] =	dma.local @!p0 [hbm:s0], s1  }
0xff: {  	s0 =	simm.s32 @!p0 $0x2  }
0x100: {  	_ =	swait.ge @!p0 [sflag:s0], s1  }
0x101: {  	s1 =	ssub.s32 @!p0 $0x0, s1;
	[sflag:s0] =	ssyncset.done @!p0 $0x0  }
0x102: {  	[sflag:s0] =	ssyncadd.s32 @!p0 s1  }
0x103: {  	[bflag:$0x3] =	sbarrier.arrive $0xFFFF  }
0x104: {  	_ =	shalt  }

</sc_bundles>
